<compile_context>
chip_gen: v7x
topology: tpu7x:2x2x1
jax: 0.10.2.dev20260603
libtpu: 0.0.44.dev20260713+nightly
codegen_flags: <defaults>
</compile_context>

<pallas_src>
import functools

import jax
import jax.numpy as jnp
from jax import lax
from jax.experimental import pallas as pl
from jax.experimental.pallas import tpu as pltpu
from jax.experimental.pallas import tpu_sc as plsc

N = 10000
E = 160000
N2 = 2 * N

NC = 2
NS = 16
NW = NC * NS
L = 16

NP = 10240
N2P = 20480
EPT1 = E // NW
C1 = 1000
EPT2 = 10752
E2P = EPT2 * NW
C2 = 672
DC = 32
DG = 16

_SC_PARAMS = pltpu.CompilerParams(
    use_tc_tiling_on_sc=False, needs_layout_passes=False)


@functools.cache
def _mesh():
  return plsc.VectorSubcoreMesh(
      core_axis_name="c", subcore_axis_name="s", num_cores=NC,
      num_subcores=NS)


def _wid():
  return lax.axis_index("s") * NC + lax.axis_index("c")


def _fill2d(ref, nrows, ncols, val):
  v = jnp.full((L,), val, jnp.float32)

  def body(i, _):
    for k in range(ncols // L):
      ref[i, pl.ds(k * L, L)] = v
    return 0

  lax.fori_loop(0, nrows, body, 0)


def _fill1d(ref, n, val):
  v = jnp.full((L,), val, jnp.float32)

  def body(i, _):
    ref[pl.ds(i * L, L)] = v
    return 0

  lax.fori_loop(0, n // L, body, 0)


def _vshuffle(x, idx):
  return lax.gather(
      x, idx[:, None],
      dimension_numbers=lax.GatherDimensionNumbers(
          offset_dims=(), collapsed_slice_dims=(0,), start_index_map=(0,)),
      slice_sizes=(1,),
      mode=lax.GatherScatterMode.PROMISE_IN_BOUNDS)


def _seg_scan(keys, vals, op):
  iota = lax.iota(jnp.int32, L)
  v = vals
  for step in (1, 2, 4, 8):
    idx = jnp.maximum(iota - step, 0)
    kn = _vshuffle(keys, idx)
    vn = _vshuffle(v, idx)
    valid = (iota >= step) & (kn == keys)
    v = jnp.where(valid, op(v, vn), v)
  nxt = jnp.minimum(iota + 1, L - 1)
  kdn = _vshuffle(keys, nxt)
  is_last = (keys != kdn) | (iota == (L - 1))
  return v, is_last


@functools.partial(jax.jit, static_argnums=(3,))
def _gin_agg(x, src, dst, nch):
  n1 = EPT1 // C1
  rows_per_tile = NP // NS

  def body(x_hbm, src_hbm, dst_hbm, out_hbm, sidx_all, didx_all, rows_v,
           buf_v, zbuf_v, acc_sh, sem0, sem1):
    cid = lax.axis_index("c")
    sid = lax.axis_index("s")
    wid = _wid()
    sems = (sem0, sem1)
    _fill2d(zbuf_v, rows_per_tile, DG, 0.0)

    def round_(r, _):
      m = r // nch
      cc = lax.rem(r, nch)
      pltpu.sync_copy(src_hbm.at[m, wid], sidx_all)
      pltpu.sync_copy(dst_hbm.at[m, wid], didx_all)
      pltpu.sync_copy(
          zbuf_v, acc_sh.at[pl.ds(sid * rows_per_tile, rows_per_tile)])
      plsc.subcore_barrier()

      def load(b, ci):
        pltpu.async_copy(x_hbm.at[m, cc].at[sidx_all.at[ci]],
                         rows_v.at[b], sems[b])

      def consume(b, ci):
        pltpu.make_async_copy(x_hbm.at[m, cc].at[sidx_all.at[ci]],
                              rows_v.at[b], sems[b]).wait()
        pltpu.sync_copy(rows_v.at[b], acc_sh.at[didx_all.at[ci]],
                        add=True)

      load(0, 0)

      def pair(cp, _):
        for b in range(2):
          ci = cp * 2 + b

          @pl.when(ci + 1 < n1)
          def _():
            load(1 - b, ci + 1)

          @pl.when(ci < n1)
          def _():
            consume(b, ci)
        return 0

      lax.fori_loop(0, (n1 + 1) // 2, pair, 0)
      plsc.subcore_barrier()
      pltpu.sync_copy(
          acc_sh.at[pl.ds(sid * rows_per_tile, rows_per_tile)], buf_v)
      pltpu.sync_copy(
          buf_v,
          out_hbm.at[m, cc, cid,
                     pl.ds(sid * rows_per_tile, rows_per_tile)])
      plsc.subcore_barrier()
      return 0

    lax.fori_loop(0, 2 * nch, round_, 0)

  k = pl.kernel(
      body,
      out_type=jax.ShapeDtypeStruct((2, nch, NC, NP, DG), jnp.float32),
      mesh=_mesh(),
      compiler_params=_SC_PARAMS,
      scratch_types=[
          pltpu.VMEM((n1, C1), jnp.int32),
          pltpu.VMEM((n1, C1), jnp.int32),
          pltpu.VMEM((2, C1, DG), jnp.float32),
          pltpu.VMEM((rows_per_tile, DG), jnp.float32),
          pltpu.VMEM((rows_per_tile, DG), jnp.float32),
          pltpu.VMEM_SHARED((NP, DG), jnp.float32),
          pltpu.SemaphoreType.DMA,
          pltpu.SemaphoreType.DMA,
      ])
  return k(x, src, dst)


@jax.jit
def _gat_alpha_amax(src, dst, a_src, a_dst):
  NEG = -3.0e38

  def body(src_hbm, dst_hbm, asrc_hbm, adst_hbm, alpha_hbm, amax_hbm,
           asrc_v, adst_v, m_v, sidx_all, didx_all, alpha_all, sem):
    cid = lax.axis_index("c")
    sid = lax.axis_index("s")
    wid = _wid()
    pltpu.sync_copy(asrc_hbm, asrc_v)
    pltpu.sync_copy(adst_hbm, adst_v)
    pltpu.sync_copy(src_hbm.at[wid], sidx_all)
    pltpu.sync_copy(dst_hbm.at[wid], didx_all)
    _fill1d(m_v, N2P, NEG)

    def vec(j, _):
      s16 = sidx_all[pl.ds(j * L, L)]
      d16 = didx_all[pl.ds(j * L, L)]
      a = (plsc.load_gather(asrc_v, [s16]) +
           plsc.load_gather(adst_v, [d16]))
      al = jnp.where(a >= 0, a, 0.2 * a)
      alpha_all[pl.ds(j * L, L)] = al
      dk, av = plsc.sort_key_val(d16, al)
      gm, is_last = _seg_scan(dk, av, jnp.maximum)
      cur = plsc.load_gather(m_v, [dk])
      plsc.store_scatter(m_v, [dk], jnp.maximum(cur, gm), mask=is_last)
      return 0

    lax.fori_loop(0, EPT2 // L, vec, 0)
    pltpu.sync_copy(alpha_all, alpha_hbm.at[wid])
    pltpu.sync_copy(m_v, amax_hbm.at[cid, sid])

  k = pl.kernel(
      body,
      out_type=(jax.ShapeDtypeStruct((NW, EPT2), jnp.float32),
                jax.ShapeDtypeStruct((NC, NS, N2P), jnp.float32)),
      mesh=_mesh(),
      compiler_params=_SC_PARAMS,
      scratch_types=[
          pltpu.VMEM((N2P,), jnp.float32),
          pltpu.VMEM((N2P,), jnp.float32),
          pltpu.VMEM((N2P,), jnp.float32),
          pltpu.VMEM((EPT2,), jnp.int32),
          pltpu.VMEM((EPT2,), jnp.int32),
          pltpu.VMEM((EPT2,), jnp.float32),
          pltpu.SemaphoreType.DMA,
      ])
  return k(src, dst, a_src, a_dst)


@jax.jit
def _gat_exp_denom(dst, alpha, amax_p):
  seg = N2P // NS

  def body(dst_hbm, alpha_hbm, amax_hbm, ex_hbm, den_hbm,
           am_v, d_v, didx_all, al_all, ex_all, red_v, stage_v, am_sh,
           sem):
    cid = lax.axis_index("c")
    sid = lax.axis_index("s")
    wid = _wid()
    pltpu.sync_copy(dst_hbm.at[wid], didx_all)
    pltpu.sync_copy(alpha_hbm.at[wid], al_all)
    _fill1d(red_v, seg, -3.0e38)
    for blk in range(NW // 8):
      pltpu.sync_copy(
          amax_hbm.at[pl.ds(blk * 8, 8), pl.ds(sid * seg, seg)], stage_v)

      def mxr(i, _):
        m = red_v[pl.ds(i * L, L)]
        for r in range(8):
          m = jnp.maximum(m, stage_v[r, pl.ds(i * L, L)])
        red_v[pl.ds(i * L, L)] = m
        return 0

      lax.fori_loop(0, seg // L, mxr, 0)
    pltpu.sync_copy(red_v, am_sh.at[pl.ds(sid * seg, seg)])
    plsc.subcore_barrier()
    pltpu.sync_copy(am_sh, am_v)
    _fill1d(d_v, N2P, 0.0)

    def vec(j, _):
      d16 = didx_all[pl.ds(j * L, L)]
      al = al_all[pl.ds(j * L, L)]
      am = plsc.load_gather(am_v, [d16])
      e = jnp.exp(al - am)
      ex_all[pl.ds(j * L, L)] = e
      dk, ev = plsc.sort_key_val(d16, e)
      gs, is_last = _seg_scan(dk, ev, lambda a, b: a + b)
      cur = plsc.load_gather(d_v, [dk])
      plsc.store_scatter(d_v, [dk], cur + gs, mask=is_last)
      return 0

    lax.fori_loop(0, EPT2 // L, vec, 0)
    pltpu.sync_copy(ex_all, ex_hbm.at[wid])
    pltpu.sync_copy(d_v, den_hbm.at[cid, sid])

  k = pl.kernel(
      body,
      out_type=(jax.ShapeDtypeStruct((NW, EPT2), jnp.float32),
                jax.ShapeDtypeStruct((NC, NS, N2P), jnp.float32)),
      mesh=_mesh(),
      compiler_params=_SC_PARAMS,
      scratch_types=[
          pltpu.VMEM((N2P,), jnp.float32),
          pltpu.VMEM((N2P,), jnp.float32),
          pltpu.VMEM((EPT2,), jnp.int32),
          pltpu.VMEM((EPT2,), jnp.float32),
          pltpu.VMEM((EPT2,), jnp.float32),
          pltpu.VMEM((seg,), jnp.float32),
          pltpu.VMEM((8, seg), jnp.float32),
          pltpu.VMEM_SHARED((N2P,), jnp.float32),
          pltpu.SemaphoreType.DMA,
      ])
  return k(dst, alpha, amax_p.reshape(NW, N2P))


@jax.jit
def _gat_wscatter(h, src, dst, ex):
  seg = N2P // NS
  nch = h.shape[0]
  dc = h.shape[2]
  U = 4 * C2
  NU = E2P // U
  USLOW, UFAST = 4, 4
  SLOW = 1
  maxnc = 4 * UFAST

  def body(h_hbm, src_hbm, dst_hbm, ex_hbm, out_hbm,
           sidx_all, didx_all, ex_all, rows_v, zbuf_v, acc_sh,
           sem0, sem1):
    cid = lax.axis_index("c")
    sid = lax.axis_index("s")
    sems = (sem0, sem1)
    splats = [jnp.full((L,), j, jnp.int32) for j in range(L)]
    slow = cid == SLOW
    nu = jnp.where(slow, USLOW, UFAST)
    offu = jnp.where(slow, sid * USLOW, NS * USLOW + sid * UFAST)
    nc = nu * 4
    for u in range(UFAST):

      @pl.when(u < nu)
      def _():
        pltpu.sync_copy(src_hbm.at[offu + u], sidx_all.at[u])
        pltpu.sync_copy(dst_hbm.at[offu + u], didx_all.at[u])
        pltpu.sync_copy(ex_hbm.at[offu + u], ex_all.at[u])
    _fill2d(zbuf_v, seg, dc, 0.0)

    def round_(cc, _):
      pltpu.sync_copy(zbuf_v, acc_sh.at[pl.ds(sid * seg, seg)])
      plsc.subcore_barrier()

      def idx_of(ci):
        return ci // 4, lax.rem(ci, 4)

      def load(b, ci):
        u, q = idx_of(ci)
        pltpu.async_copy(h_hbm.at[cc].at[sidx_all.at[u, q]], rows_v.at[b],
                         sems[b])

      def consume(b, ci):
        u, q = idx_of(ci)
        pltpu.make_async_copy(h_hbm.at[cc].at[sidx_all.at[u, q]],
                              rows_v.at[b], sems[b]).wait()

        def scale_grp(g, _):
          ex16 = ex_all[u, q, pl.ds(g * L, L)]
          for j in range(L):
            ev = _vshuffle(ex16, splats[j])
            e = g * L + j
            for kk in range(dc // L):
              rows_v[b, e, pl.ds(kk * L, L)] = (
                  rows_v[b, e, pl.ds(kk * L, L)] * ev)
          return 0

        lax.fori_loop(0, C2 // L, scale_grp, 0)
        pltpu.sync_copy(rows_v.at[b], acc_sh.at[didx_all.at[u, q]],
                        add=True)

      load(0, 0)

      def pair(cp, _):
        for b in range(2):
          ci = cp * 2 + b

          @pl.when(ci + 1 < nc)
          def _():
            load(1 - b, ci + 1)

          @pl.when(ci < nc)
          def _():
            consume(b, ci)
        return 0

      lax.fori_loop(0, maxnc // 2, pair, 0)
      plsc.subcore_barrier()
      pltpu.sync_copy(acc_sh.at[pl.ds(sid * seg, seg)],
                      out_hbm.at[cc, cid, pl.ds(sid * seg, seg)])
      plsc.subcore_barrier()
      return 0

    lax.fori_loop(0, nch, round_, 0)

  k = pl.kernel(
      body,
      out_type=jax.ShapeDtypeStruct((nch, NC, N2P, dc), jnp.float32),
      mesh=_mesh(),
      compiler_params=_SC_PARAMS,
      scratch_types=[
          pltpu.VMEM((UFAST, 4, C2), jnp.int32),
          pltpu.VMEM((UFAST, 4, C2), jnp.int32),
          pltpu.VMEM((UFAST, 4, C2), jnp.float32),
          pltpu.VMEM((2, C2, dc), jnp.float32),
          pltpu.VMEM((seg, dc), jnp.float32),
          pltpu.VMEM_SHARED((N2P, dc), jnp.float32),
          pltpu.SemaphoreType.DMA,
          pltpu.SemaphoreType.DMA,
      ])
  return k(h, src.reshape(NU, 4, C2), dst.reshape(NU, 4, C2),
           ex.reshape(NU, 4, C2))


@functools.partial(jax.jit, static_argnums=(6,))
def _gin_mlp(x, p, w1, b1, w2, b2, relu_out):
  Dout = w2.shape[1]

  def body(x_ref, p_ref, w1_ref, b1_ref, w2_ref, b2_ref, o_ref):
    t = x_ref[...] + p_ref[0] + p_ref[1]
    h = jnp.maximum(
        jnp.dot(t, w1_ref[...], preferred_element_type=jnp.float32)
        + b1_ref[...], 0.0)
    o = jnp.dot(h, w2_ref[...], preferred_element_type=jnp.float32) \
        + b2_ref[...]
    if relu_out:
      o = jnp.maximum(o, 0.0)
    o_ref[...] = o

  return pl.pallas_call(
      body,
      out_shape=jax.ShapeDtypeStruct((NP, Dout), jnp.float32),
  )(x, p, w1, b1, w2, b2)


@jax.jit
def _gat_pre(x, w, asrc, adst):
  Dout = w.shape[1]
  nch = Dout // DC

  del nch

  def body(x_ref, w_ref, as_ref, ad_ref, h_ref, s_ref, d_ref):
    h = jnp.dot(x_ref[...], w_ref[...], preferred_element_type=jnp.float32)
    h_ref[...] = h
    s_ref[...] = jnp.dot(h, as_ref[...], preferred_element_type=jnp.float32)
    d_ref[...] = jnp.dot(h, ad_ref[...], preferred_element_type=jnp.float32)

  return pl.pallas_call(
      body,
      out_shape=(jax.ShapeDtypeStruct((N2P, Dout), jnp.float32),
                 jax.ShapeDtypeStruct((N2P, 1), jnp.float32),
                 jax.ShapeDtypeStruct((N2P, 1), jnp.float32)),
  )(x, w, asrc, adst)


@functools.partial(jax.jit, static_argnums=(1,))
def _combine(parts, is_max):

  def body(p_ref, o_ref):
    acc = p_ref[0, 0]
    for c in range(NC):
      for s in range(NS):
        if c == 0 and s == 0:
          continue
        if is_max:
          acc = jnp.maximum(acc, p_ref[c, s])
        else:
          acc = acc + p_ref[c, s]
    o_ref[...] = acc

  return pl.pallas_call(
      body,
      out_shape=jax.ShapeDtypeStruct((N2P,), jnp.float32),
  )(parts)


@functools.partial(jax.jit, static_argnums=(3,))
def _gat_post(acc, den, bias, relu_out):
  nch = acc.shape[0]
  dc = acc.shape[3]
  Dtot = nch * dc
  R = 2048
  acc_t = acc.transpose(1, 2, 0, 3).reshape(NC, N2P, Dtot)
  den2 = den.reshape(NW, N2P)

  def body(a_ref, d_ref, b_ref, o_ref):
    d = d_ref[0]
    for r in range(1, NW):
      d = d + d_ref[r]
    d = d + 1e-16
    y = (a_ref[0] + a_ref[1]) / d[:, None] + b_ref[...]
    if relu_out:
      y = jnp.maximum(y, 0.0)
    o_ref[...] = y

  return pl.pallas_call(
      body,
      grid=(N2P // R,),
      in_specs=[
          pl.BlockSpec((NC, R, Dtot), lambda i: (0, i, 0)),
          pl.BlockSpec((NW, R), lambda i: (0, i)),
          pl.BlockSpec((1, Dtot), lambda i: (0, 0)),
      ],
      out_specs=pl.BlockSpec((R, Dtot), lambda i: (i, 0)),
      out_shape=jax.ShapeDtypeStruct((N2P, Dtot), jnp.float32),
  )(acc_t, den2, bias)


def _split_cols(x, nch, d=DC):
  r = x.shape[0]
  return x.reshape(r, nch, d).transpose(1, 0, 2)


def _gat_block(x, src, dst, w, asrc, adst, bias, relu_out, dc):
  h, a_s, a_d = _gat_pre(x, w, asrc, adst)
  nch = h.shape[1] // dc
  h_chunks = _split_cols(h, nch, dc)
  src_t = src.reshape(NW, EPT2)
  dst_t = dst.reshape(NW, EPT2)
  alpha, amax_p = _gat_alpha_amax(src_t, dst_t, a_s[:, 0], a_d[:, 0])
  ex, den_p = _gat_exp_denom(dst_t, alpha, amax_p)
  acc = _gat_wscatter(h_chunks, src, dst, ex.reshape(E2P))
  return _gat_post(acc, den_p, bias, relu_out)


def kernel(emg_x, eeg_x, emg_edge_index, eeg_edge_index, emg_edge_attr,
           eeg_edge_attr, emg_w1, emg_b1, emg_w2, emg_b2, emg_w3, emg_b3,
           emg_w4, emg_b4, eeg_w1, eeg_b1, eeg_w2, eeg_b2, eeg_w3, eeg_b3,
           eeg_w4, eeg_b4, gat1_w, gat1_asrc, gat1_adst, gat1_b, gat2_w,
           gat2_asrc, gat2_adst, gat2_b):
  f32 = jnp.float32
  ex_pad = jnp.pad(emg_x, ((0, NP - N), (0, DG - 10)))
  gx_pad = jnp.pad(eeg_x, ((0, NP - N), (0, DG - 10)))
  x0 = jnp.stack([ex_pad, gx_pad])[:, None]
  ew1 = jnp.pad(emg_w1, ((0, DG - 10), (0, 0)))
  gw1 = jnp.pad(eeg_w1, ((0, DG - 10), (0, 0)))
  src = jnp.stack([emg_edge_index[0], eeg_edge_index[0]])
  dst = jnp.stack([emg_edge_index[1], eeg_edge_index[1]])
  n1 = EPT1 // C1
  src_b = src.reshape(2, NW, n1, C1)
  dst_b = dst.reshape(2, NW, n1, C1)

  p0 = _gin_agg(x0, src_b, dst_b, 1)
  h_emg = _gin_mlp(ex_pad, p0[0, 0], ew1, emg_b1.reshape(1, -1), emg_w2,
                   emg_b2.reshape(1, -1), True)
  h_eeg = _gin_mlp(gx_pad, p0[1, 0], gw1, eeg_b1.reshape(1, -1), eeg_w2,
                   eeg_b2.reshape(1, -1), True)
  x1 = jnp.stack([_split_cols(h_emg, 4, DG), _split_cols(h_eeg, 4, DG)])
  p1 = _gin_agg(x1, src_b, dst_b, 4)
  p1 = jnp.concatenate([p1[:, i] for i in range(4)], axis=-1)
  emg_feat = _gin_mlp(h_emg, p1[0], emg_w3, emg_b3.reshape(1, -1), emg_w4,
                      emg_b4.reshape(1, -1), False)
  eeg_feat = _gin_mlp(h_eeg, p1[1], eeg_w3, eeg_b3.reshape(1, -1), eeg_w4,
                      eeg_b4.reshape(1, -1), False)

  x = jnp.concatenate(
      [emg_feat[:N], eeg_feat[:N],
       jnp.zeros((N2P - N2, 128), f32)])
  loop = jnp.arange(N2, dtype=jnp.int32)
  npad = E2P - (2 * E + N2)
  src2 = jnp.concatenate(
      [src[0], src[1] + N, loop, jnp.zeros((npad,), jnp.int32)])
  dst2 = jnp.concatenate(
      [dst[0], dst[1] + N, loop, jnp.full((npad,), N2, jnp.int32)])

  h1 = _gat_block(x, src2, dst2, gat1_w, gat1_asrc.reshape(-1, 1),
                  gat1_adst.reshape(-1, 1), gat1_b.reshape(1, -1), True, 16)
  h2 = _gat_block(h1, src2, dst2, gat2_w, gat2_asrc.reshape(-1, 1),
                  gat2_adst.reshape(-1, 1), gat2_b.reshape(1, -1), False, 16)
  return h2[:N2]

# --- scband reference (transcript-rebuilt; emitter-appended) ---
"""Pipeline reference for scband-emgeegfusion-encoderv3-45217415692423 (READ-ONLY COPY).

The authoritative reference and input builder live on the scoring server;
editing this copy changes nothing except your own understanding.
"""

import jax, jax.numpy as jnp
import numpy as np

N = 10000
E = 160000
D_IN = 10
D_EDGE = 4

def _glorot(key, shape, fan_in, fan_out):
    lim = (6.0 / (fan_in + fan_out)) ** 0.5
    return jax.random.uniform(key, shape, minval=-lim, maxval=lim, dtype=jnp.float32)

def gin_conv(x, src, dst, W1, b1, W2, b2, num_nodes):
    agg = jax.ops.segment_sum(x[src], dst, num_segments=num_nodes)
    h = x + agg
    h = jax.nn.relu(h @ W1 + b1)
    return h @ W2 + b2

def gat_conv(x, src, dst, W, att_src, att_dst, bias, num_nodes):
    loop = jnp.arange(num_nodes, dtype=src.dtype)
    src2 = jnp.concatenate([src, loop])
    dst2 = jnp.concatenate([dst, loop])
    h = x @ W
    a_src = (h * att_src).sum(axis=-1)
    a_dst = (h * att_dst).sum(axis=-1)
    alpha = jax.nn.leaky_relu(a_src[src2] + a_dst[dst2], negative_slope=0.2)
    amax = jax.ops.segment_max(alpha, dst2, num_segments=num_nodes)
    ex = jnp.exp(alpha - amax[dst2])
    denom = jax.ops.segment_sum(ex, dst2, num_segments=num_nodes)
    coef = ex / (denom[dst2] + 1e-16)
    out = jax.ops.segment_sum(h[src2] * coef[:, None], dst2, num_segments=num_nodes)
    return out + bias

def setup_inputs(seed: int = 0):
    key = jax.random.key(seed)
    ks = jax.random.split(key, 24)
    inp = {}
    inp['emg_x'] = jax.random.normal(ks[0], (N, D_IN), dtype=jnp.float32)
    inp['eeg_x'] = jax.random.normal(ks[1], (N, D_IN), dtype=jnp.float32)
    inp['emg_edge_index'] = jax.random.randint(ks[2], (2, E), 0, N, dtype=jnp.int32)
    inp['eeg_edge_index'] = jax.random.randint(ks[3], (2, E), 0, N, dtype=jnp.int32)
    inp['emg_edge_attr'] = jax.random.normal(ks[4], (E, D_EDGE), dtype=jnp.float32)
    inp['eeg_edge_attr'] = jax.random.normal(ks[5], (E, D_EDGE), dtype=jnp.float32)
    i = 6
    for p in ('emg', 'eeg'):
        inp[p + '_w1'] = _glorot(ks[i], (10, 64), 10, 64); i += 1
        inp[p + '_b1'] = jnp.zeros((64,), jnp.float32)
        inp[p + '_w2'] = _glorot(ks[i], (64, 64), 64, 64); i += 1
        inp[p + '_b2'] = jnp.zeros((64,), jnp.float32)
        inp[p + '_w3'] = _glorot(ks[i], (64, 128), 64, 128); i += 1
        inp[p + '_b3'] = jnp.zeros((128,), jnp.float32)
        inp[p + '_w4'] = _glorot(ks[i], (128, 128), 128, 128); i += 1
        inp[p + '_b4'] = jnp.zeros((128,), jnp.float32)
    inp['gat1_w'] = _glorot(ks[i], (128, 256), 128, 256); i += 1
    inp['gat1_asrc'] = _glorot(ks[i], (256,), 256, 1); i += 1
    inp['gat1_adst'] = _glorot(ks[i], (256,), 256, 1); i += 1
    inp['gat1_b'] = jnp.zeros((256,), jnp.float32)
    inp['gat2_w'] = _glorot(ks[i], (256, 128), 256, 128); i += 1
    inp['gat2_asrc'] = _glorot(ks[i], (128,), 128, 1); i += 1
    inp['gat2_adst'] = _glorot(ks[i], (128,), 128, 1); i += 1
    inp['gat2_b'] = jnp.zeros((128,), jnp.float32)
    return inp

def reference(emg_x, eeg_x, emg_edge_index, eeg_edge_index, emg_edge_attr, eeg_edge_attr, emg_w1, emg_b1, emg_w2, emg_b2, emg_w3, emg_b3, emg_w4, emg_b4, eeg_w1, eeg_b1, eeg_w2, eeg_b2, eeg_w3, eeg_b3, eeg_w4, eeg_b4, gat1_w, gat1_asrc, gat1_adst, gat1_b, gat2_w, gat2_asrc, gat2_adst, gat2_b):
    h = jax.nn.relu(gin_conv(emg_x, emg_edge_index[0], emg_edge_index[1], emg_w1, emg_b1, emg_w2, emg_b2, N))
    emg_feat = gin_conv(h, emg_edge_index[0], emg_edge_index[1], emg_w3, emg_b3, emg_w4, emg_b4, N)
    h = jax.nn.relu(gin_conv(eeg_x, eeg_edge_index[0], eeg_edge_index[1], eeg_w1, eeg_b1, eeg_w2, eeg_b2, N))
    eeg_feat = gin_conv(h, eeg_edge_index[0], eeg_edge_index[1], eeg_w3, eeg_b3, eeg_w4, eeg_b4, N)
    x = jnp.concatenate([emg_feat, eeg_feat], axis=0)
    src = jnp.concatenate([emg_edge_index[0], eeg_edge_index[0] + N])
    dst = jnp.concatenate([emg_edge_index[1], eeg_edge_index[1] + N])
    h = jax.nn.relu(gat_conv(x, src, dst, gat1_w, gat1_asrc, gat1_adst, gat1_b, 2 * N))
    return gat_conv(h, src, dst, gat2_w, gat2_asrc, gat2_adst, gat2_b, 2 * N)

if __name__ == "__main__":
    import jax
    _d = setup_inputs()
    print(jax.jit(kernel)(*tuple(_d.values())))

</pallas_src>

<mosaic_0001>
#map = affine_map<(d0, d1) -> (0, 0, 0, 0)>
#map1 = affine_map<(d0, d1) -> (0, 0, 0, 0, 0)>
module attributes {stable_mosaic.version = 14 : i64} {
  func.func @body(%arg0: i32, %arg1: i32, %arg2: memref<2x1x10240x16xf32, #tpu.memory_space<hbm>>, %arg3: memref<2x32x5x1000xi32, #tpu.memory_space<hbm>>, %arg4: memref<2x32x5x1000xi32, #tpu.memory_space<hbm>>, %arg5: memref<2x1x2x10240x16xf32, #tpu.memory_space<hbm>>, %arg6: memref<5x1000xi32, #tpu.memory_space<vmem>>, %arg7: memref<5x1000xi32, #tpu.memory_space<vmem>>, %arg8: memref<2x1000x16xf32, #tpu.memory_space<vmem>>, %arg9: memref<640x16xf32, #tpu.memory_space<vmem>>, %arg10: memref<640x16xf32, #tpu.memory_space<vmem>>, %arg11: memref<10240x16xf32, #tpu.memory_space<vmem_shared>>, %arg12: memref<!tpu.dma_semaphore, #tpu.memory_space<semaphore_mem>>, %arg13: memref<!tpu.dma_semaphore, #tpu.memory_space<semaphore_mem>>) attributes {dimension_semantics = [#tpu.dimension_semantics<core_parallel>, #tpu.dimension_semantics<subcore_parallel>], iteration_bounds = array<i64: 2, 16>, scalar_prefetch = 0 : i64, scratch_operands = 8 : i64, tpu.core_type = #tpu.core_type<sc_vector_subcore>, window_params = [{transform_indices = #map}, {transform_indices = #map}, {transform_indices = #map}, {transform_indices = #map1}]} {
    %mul3A = arith.constant 2 : i32
    %mul3A_0 = arith.muli %arg1, %mul3A : i32
    %add3A = arith.addi %mul3A_0, %arg0 : i32
    %broadcast_in_dim3A = arith.constant 0.000000e+00 : f32
    %broadcast_in_dim3A_1 = vector.broadcast %broadcast_in_dim3A : f32 to vector<16xf32>
    %scan3A = arith.constant 0 : i32
    %scan3A_2 = arith.constant 0 : i32
    %scan3A_3 = arith.constant 640 : i32
    %scan3A_4 = arith.addi %scan3A_2, %scan3A_3 : i32
    %scan3A_5 = arith.constant 1 : i32
    %scan3A_6 = scf.for %scan3A_15 = %scan3A_2 to %scan3A_4 step %scan3A_5 iter_args(%scan3A_16 = %scan3A) -> (i32)  : i32 {
      %swap3A = arith.index_cast %scan3A_15 : i32 to index
      %swap3A_17 = arith.constant 0 : index
      %swap3A_18 = tpu.vector_load %arg10[%swap3A, %swap3A_17] {strides = array<i32>} : memref<640x16xf32, #tpu.memory_space<vmem>>, vector<16xf32>,
      tpu.vector_store %arg10[%swap3A, %swap3A_17], %broadcast_in_dim3A_1 {strides = array<i32>} : memref<640x16xf32, #tpu.memory_space<vmem>>, vector<16xf32>,
      %scan3A_19 = arith.constant 0 : i32
      scf.yield %scan3A_19 : i32
    }
    %scan3A_7 = arith.constant 640 : i32
    %scan3A_8 = arith.constant 0 : i32
    %scan3A_9 = arith.constant 0 : i32
    %scan3A_10 = arith.constant 2 : i32
    %scan3A_11 = arith.addi %scan3A_9, %scan3A_10 : i32
    %scan3A_12 = arith.constant 1 : i32
    %scan3A_13 = scf.for %scan3A_15 = %scan3A_9 to %scan3A_11 step %scan3A_12 iter_args(%scan3A_16 = %scan3A_8) -> (i32)  : i32 {
      %jit3A = arith.constant 1 : i32
      %div3A = arith.divsi %scan3A_15, %jit3A : i32
      %sign3A = arith.constant 0 : i32
      %sign3A_17 = arith.cmpi sgt, %scan3A_15, %sign3A : i32
      %sign3A_18 = arith.extui %sign3A_17 : i1 to i32
      %sign3A_19 = arith.constant 0 : i32
      %sign3A_20 = arith.cmpi slt, %scan3A_15, %sign3A_19 : i32
      %sign3A_21 = arith.extui %sign3A_20 : i1 to i32
      %sign3A_22 = arith.subi %sign3A_18, %sign3A_21 : i32
      %sign3A_23 = arith.constant 0 : i32
      %sign3A_24 = arith.cmpi sgt, %jit3A, %sign3A_23 : i32
      %sign3A_25 = arith.extui %sign3A_24 : i1 to i32
      %sign3A_26 = arith.constant 0 : i32
      %sign3A_27 = arith.cmpi slt, %jit3A, %sign3A_26 : i32
      %sign3A_28 = arith.extui %sign3A_27 : i1 to i32
      %sign3A_29 = arith.subi %sign3A_25, %sign3A_28 : i32
      %ne3A = arith.cmpi ne, %sign3A_22, %sign3A_29 : i32
      %rem3A = arith.remsi %scan3A_15, %jit3A : i32
      %ne3A_30 = arith.constant 0 : i32
      %ne3A_31 = arith.cmpi ne, %rem3A, %ne3A_30 : i32
      %and3A = arith.andi %ne3A, %ne3A_31 : i1
      %sub3A = arith.constant 1 : i32
      %sub3A_32 = arith.subi %div3A, %sub3A : i32
      %select_n3A = arith.select %and3A, %sub3A_32, %div3A : i32
      %rem3A_33 = arith.constant 1 : i32
      %rem3A_34 = arith.remsi %scan3A_15, %rem3A_33 : i32
      "tpu.region"() ({
        %run_scoped3A = tpu.sem_alloc : memref<!tpu.dma_semaphore, #tpu.memory_space<semaphore_mem>>
        %dma_start3A_66 = arith.constant 0 : i32
        %dma_start3A_67 = arith.constant 0 : i32
        %dma_start3A_68 = tpu.memref_slice %arg3[%select_n3A, %add3A, %dma_start3A_66, %dma_start3A_67] : memref<2x32x5x1000xi32, #tpu.memory_space<hbm>> -> memref<1x1x5x1000xi32, #tpu.memory_space<hbm>>
        %dma_start3A_69 = tpu.memref_squeeze %dma_start3A_68 : memref<1x1x5x1000xi32, #tpu.memory_space<hbm>> -> memref<5x1000xi32, #tpu.memory_space<hbm>>
        %dma_start3A_70 = arith.constant 0 : i32
        %dma_start3A_71 = arith.constant 0 : i32
        %dma_start3A_72 = tpu.memref_slice %arg3[%select_n3A, %add3A, %dma_start3A_70, %dma_start3A_71] : memref<2x32x5x1000xi32, #tpu.memory_space<hbm>> -> memref<1x1x5x1000xi32, #tpu.memory_space<hbm>>
        %dma_start3A_73 = tpu.memref_squeeze %dma_start3A_72 : memref<1x1x5x1000xi32, #tpu.memory_space<hbm>> -> memref<5x1000xi32, #tpu.memory_space<hbm>>
        tpu.enqueue_dma source(%dma_start3A_73 : memref<5x1000xi32, #tpu.memory_space<hbm>>) target(%arg6 : memref<5x1000xi32, #tpu.memory_space<vmem>>) target_semaphore(%run_scoped3A : memref<!tpu.dma_semaphore, #tpu.memory_space<semaphore_mem>>)
        %dma_wait3A = arith.constant 0 : i32
        %dma_wait3A_74 = arith.constant 0 : i32
        %dma_wait3A_75 = tpu.memref_slice %arg3[%select_n3A, %add3A, %dma_wait3A, %dma_wait3A_74] : memref<2x32x5x1000xi32, #tpu.memory_space<hbm>> -> memref<1x1x5x1000xi32, #tpu.memory_space<hbm>>
        %dma_wait3A_76 = tpu.memref_squeeze %dma_wait3A_75 : memref<1x1x5x1000xi32, #tpu.memory_space<hbm>> -> memref<5x1000xi32, #tpu.memory_space<hbm>>
        %dma_wait3A_77 = arith.constant 0 : i32
        %dma_wait3A_78 = arith.constant 0 : i32
        %dma_wait3A_79 = tpu.memref_slice %arg3[%select_n3A, %add3A, %dma_wait3A_77, %dma_wait3A_78] : memref<2x32x5x1000xi32, #tpu.memory_space<hbm>> -> memref<1x1x5x1000xi32, #tpu.memory_space<hbm>>
        %dma_wait3A_80 = tpu.memref_squeeze %dma_wait3A_79 : memref<1x1x5x1000xi32, #tpu.memory_space<hbm>> -> memref<5x1000xi32, #tpu.memory_space<hbm>>
        tpu.wait_dma2 semaphore(%run_scoped3A : memref<!tpu.dma_semaphore, #tpu.memory_space<semaphore_mem>>) src(%dma_wait3A_80 : memref<5x1000xi32, #tpu.memory_space<hbm>>) dst(%arg6 : memref<5x1000xi32, #tpu.memory_space<vmem>>)
        tpu.yield
      }) : () -> ()
      "tpu.region"() ({
        %run_scoped3A = tpu.sem_alloc : memref<!tpu.dma_semaphore, #tpu.memory_space<semaphore_mem>>
        %dma_start3A_66 = arith.constant 0 : i32
        %dma_start3A_67 = arith.constant 0 : i32
        %dma_start3A_68 = tpu.memref_slice %arg4[%select_n3A, %add3A, %dma_start3A_66, %dma_start3A_67] : memref<2x32x5x1000xi32, #tpu.memory_space<hbm>> -> memref<1x1x5x1000xi32, #tpu.memory_space<hbm>>
        %dma_start3A_69 = tpu.memref_squeeze %dma_start3A_68 : memref<1x1x5x1000xi32, #tpu.memory_space<hbm>> -> memref<5x1000xi32, #tpu.memory_space<hbm>>
        %dma_start3A_70 = arith.constant 0 : i32
        %dma_start3A_71 = arith.constant 0 : i32
        %dma_start3A_72 = tpu.memref_slice %arg4[%select_n3A, %add3A, %dma_start3A_70, %dma_start3A_71] : memref<2x32x5x1000xi32, #tpu.memory_space<hbm>> -> memref<1x1x5x1000xi32, #tpu.memory_space<hbm>>
        %dma_start3A_73 = tpu.memref_squeeze %dma_start3A_72 : memref<1x1x5x1000xi32, #tpu.memory_space<hbm>> -> memref<5x1000xi32, #tpu.memory_space<hbm>>
        tpu.enqueue_dma source(%dma_start3A_73 : memref<5x1000xi32, #tpu.memory_space<hbm>>) target(%arg7 : memref<5x1000xi32, #tpu.memory_space<vmem>>) target_semaphore(%run_scoped3A : memref<!tpu.dma_semaphore, #tpu.memory_space<semaphore_mem>>)
        %dma_wait3A = arith.constant 0 : i32
        %dma_wait3A_74 = arith.constant 0 : i32
        %dma_wait3A_75 = tpu.memref_slice %arg4[%select_n3A, %add3A, %dma_wait3A, %dma_wait3A_74] : memref<2x32x5x1000xi32, #tpu.memory_space<hbm>> -> memref<1x1x5x1000xi32, #tpu.memory_space<hbm>>
        %dma_wait3A_76 = tpu.memref_squeeze %dma_wait3A_75 : memref<1x1x5x1000xi32, #tpu.memory_space<hbm>> -> memref<5x1000xi32, #tpu.memory_space<hbm>>
        %dma_wait3A_77 = arith.constant 0 : i32
        %dma_wait3A_78 = arith.constant 0 : i32
        %dma_wait3A_79 = tpu.memref_slice %arg4[%select_n3A, %add3A, %dma_wait3A_77, %dma_wait3A_78] : memref<2x32x5x1000xi32, #tpu.memory_space<hbm>> -> memref<1x1x5x1000xi32, #tpu.memory_space<hbm>>
        %dma_wait3A_80 = tpu.memref_squeeze %dma_wait3A_79 : memref<1x1x5x1000xi32, #tpu.memory_space<hbm>> -> memref<5x1000xi32, #tpu.memory_space<hbm>>
        tpu.wait_dma2 semaphore(%run_scoped3A : memref<!tpu.dma_semaphore, #tpu.memory_space<semaphore_mem>>) src(%dma_wait3A_80 : memref<5x1000xi32, #tpu.memory_space<hbm>>) dst(%arg7 : memref<5x1000xi32, #tpu.memory_space<vmem>>)
        tpu.yield
      }) : () -> ()
      %mul3A_35 = arith.constant 640 : i32
      %mul3A_36 = arith.muli %arg1, %mul3A_35 : i32
      "tpu.region"() ({
        %run_scoped3A = tpu.sem_alloc : memref<!tpu.dma_semaphore, #tpu.memory_space<semaphore_mem>>
        %dma_start3A_66 = arith.constant 0 : i32
        %dma_start3A_67 = tpu.memref_slice %arg11[%mul3A_36, %dma_start3A_66] : memref<10240x16xf32, #tpu.memory_space<vmem_shared>> -> memref<640x16xf32, #tpu.memory_space<vmem_shared>>
        %dma_start3A_68 = arith.constant 0 : i32
        %dma_start3A_69 = tpu.memref_slice %arg11[%mul3A_36, %dma_start3A_68] : memref<10240x16xf32, #tpu.memory_space<vmem_shared>> -> memref<640x16xf32, #tpu.memory_space<vmem_shared>>
        tpu.enqueue_dma source(%arg10 : memref<640x16xf32, #tpu.memory_space<vmem>>) target(%dma_start3A_69 : memref<640x16xf32, #tpu.memory_space<vmem_shared>>) target_semaphore(%run_scoped3A : memref<!tpu.dma_semaphore, #tpu.memory_space<semaphore_mem>>)
        %dma_wait3A = arith.constant 0 : i32
        %dma_wait3A_70 = tpu.memref_slice %arg11[%mul3A_36, %dma_wait3A] : memref<10240x16xf32, #tpu.memory_space<vmem_shared>> -> memref<640x16xf32, #tpu.memory_space<vmem_shared>>
        %dma_wait3A_71 = arith.constant 0 : i32
        %dma_wait3A_72 = tpu.memref_slice %arg11[%mul3A_36, %dma_wait3A_71] : memref<10240x16xf32, #tpu.memory_space<vmem_shared>> -> memref<640x16xf32, #tpu.memory_space<vmem_shared>>
        tpu.wait_dma2 semaphore(%run_scoped3A : memref<!tpu.dma_semaphore, #tpu.memory_space<semaphore_mem>>) src(%arg10 : memref<640x16xf32, #tpu.memory_space<vmem>>) dst(%dma_wait3A_72 : memref<640x16xf32, #tpu.memory_space<vmem_shared>>)
        tpu.yield
      }) : () -> ()
      %barrier3A = arith.constant 0 : index
      tpu.barrier barrier_id(%barrier3A)
      %dma_start3A = arith.constant 0 : i32
      %dma_start3A_37 = arith.constant 0 : i32
      %dma_start3A_38 = arith.constant 0 : i32
      %dma_start3A_39 = arith.constant 0 : i32
      %dma_start3A_40 = tpu.memref_slice %arg8[%dma_start3A_37, %dma_start3A_38, %dma_start3A_39] : memref<2x1000x16xf32, #tpu.memory_space<vmem>> -> memref<1x1000x16xf32, #tpu.memory_space<vmem>>
      %dma_start3A_41 = tpu.memref_squeeze %dma_start3A_40 : memref<1x1000x16xf32, #tpu.memory_space<vmem>> -> memref<1000x16xf32, #tpu.memory_space<vmem>>
      %dma_start3A_42 = arith.constant 0 : i32
      %dma_start3A_43 = tpu.memref_slice %arg6[%dma_start3A, %dma_start3A_42] : memref<5x1000xi32, #tpu.memory_space<vmem>> -> memref<1x1000xi32, #tpu.memory_space<vmem>>
      %dma_start3A_44 = tpu.memref_squeeze %dma_start3A_43 : memref<1x1000xi32, #tpu.memory_space<vmem>> -> memref<1000xi32, #tpu.memory_space<vmem>>
      %dma_start3A_45 = arith.constant 0 : i32
      %dma_start3A_46 = arith.constant 0 : i32
      %dma_start3A_47 = tpu.memref_slice %arg2[%select_n3A, %rem3A_34, %dma_start3A_45, %dma_start3A_46] : memref<2x1x10240x16xf32, #tpu.memory_space<hbm>> -> memref<1x1x10240x16xf32, #tpu.memory_space<hbm>>
      %dma_start3A_48 = tpu.memref_squeeze %dma_start3A_47 : memref<1x1x10240x16xf32, #tpu.memory_space<hbm>> -> memref<10240x16xf32, #tpu.memory_space<hbm>>
      %dma_start3A_49 = arith.constant 0 : i32
      %dma_start3A_50 = arith.constant 0 : i32
      %dma_start3A_51 = tpu.memref_slice %dma_start3A_48[%dma_start3A_49, %dma_start3A_50] : memref<10240x16xf32, #tpu.memory_space<hbm>> -> memref<10240x16xf32, #tpu.memory_space<hbm>>
      tpu.enqueue_indirect_dma source(%dma_start3A_51 : memref<10240x16xf32, #tpu.memory_space<hbm>>) target(%dma_start3A_41 : memref<1000x16xf32, #tpu.memory_space<vmem>>) offsets(%dma_start3A_44 : memref<1000xi32, #tpu.memory_space<vmem>>) semaphore(%arg12 : memref<!tpu.dma_semaphore, #tpu.memory_space<semaphore_mem>>)
      %scan3A_52 = arith.constant 0 : i32
      %scan3A_53 = arith.constant 0 : i32
      %scan3A_54 = arith.constant 3 : i32
      %scan3A_55 = arith.addi %scan3A_53, %scan3A_54 : i32
      %scan3A_56 = arith.constant 1 : i32
      %scan3A_57 = scf.for %scan3A_66 = %scan3A_53 to %scan3A_55 step %scan3A_56 iter_args(%scan3A_67 = %scan3A_52) -> (i32)  : i32 {
        %mul3A_68 = arith.constant 2 : i32
        %mul3A_69 = arith.muli %scan3A_66, %mul3A_68 : i32
        %add3A_70 = arith.constant 0 : i32
        %add3A_71 = arith.addi %mul3A_69, %add3A_70 : i32
        %add3A_72 = arith.constant 1 : i32
        %add3A_73 = arith.addi %add3A_71, %add3A_72 : i32
        %lt3A = arith.constant 5 : i32
        %lt3A_74 = arith.cmpi slt, %add3A_73, %lt3A : i32
        %convert_element_type3A = arith.extui %lt3A_74 : i1 to i32
        %cond3A = arith.constant 0 : i32
        %cond3A_75 = arith.cmpi ne, %convert_element_type3A, %cond3A : i32
        scf.if %cond3A_75 {
          %add3A_98 = arith.constant 1 : i32
          %add3A_99 = arith.addi %add3A_71, %add3A_98 : i32
          %dma_start3A_100 = arith.constant 1 : i32
          %dma_start3A_101 = arith.constant 0 : i32
          %dma_start3A_102 = arith.constant 0 : i32
          %dma_start3A_103 = tpu.memref_slice %arg8[%dma_start3A_100, %dma_start3A_101, %dma_start3A_102] : memref<2x1000x16xf32, #tpu.memory_space<vmem>> -> memref<1x1000x16xf32, #tpu.memory_space<vmem>>
          %dma_start3A_104 = tpu.memref_squeeze %dma_start3A_103 : memref<1x1000x16xf32, #tpu.memory_space<vmem>> -> memref<1000x16xf32, #tpu.memory_space<vmem>>
          %dma_start3A_105 = arith.constant 0 : i32
          %dma_start3A_106 = tpu.memref_slice %arg6[%add3A_99, %dma_start3A_105] : memref<5x1000xi32, #tpu.memory_space<vmem>> -> memref<1x1000xi32, #tpu.memory_space<vmem>>
          %dma_start3A_107 = tpu.memref_squeeze %dma_start3A_106 : memref<1x1000xi32, #tpu.memory_space<vmem>> -> memref<1000xi32, #tpu.memory_space<vmem>>
          %dma_start3A_108 = arith.constant 0 : i32
          %dma_start3A_109 = arith.constant 0 : i32
          %dma_start3A_110 = tpu.memref_slice %arg2[%select_n3A, %rem3A_34, %dma_start3A_108, %dma_start3A_109] : memref<2x1x10240x16xf32, #tpu.memory_space<hbm>> -> memref<1x1x10240x16xf32, #tpu.memory_space<hbm>>
          %dma_start3A_111 = tpu.memref_squeeze %dma_start3A_110 : memref<1x1x10240x16xf32, #tpu.memory_space<hbm>> -> memref<10240x16xf32, #tpu.memory_space<hbm>>
          %dma_start3A_112 = arith.constant 0 : i32
          %dma_start3A_113 = arith.constant 0 : i32
          %dma_start3A_114 = tpu.memref_slice %dma_start3A_111[%dma_start3A_112, %dma_start3A_113] : memref<10240x16xf32, #tpu.memory_space<hbm>> -> memref<10240x16xf32, #tpu.memory_space<hbm>>
          tpu.enqueue_indirect_dma source(%dma_start3A_114 : memref<10240x16xf32, #tpu.memory_space<hbm>>) target(%dma_start3A_104 : memref<1000x16xf32, #tpu.memory_space<vmem>>) offsets(%dma_start3A_107 : memref<1000xi32, #tpu.memory_space<vmem>>) semaphore(%arg13 : memref<!tpu.dma_semaphore, #tpu.memory_space<semaphore_mem>>)
        } else {
        }
        %lt3A_76 = arith.constant 5 : i32
        %lt3A_77 = arith.cmpi slt, %add3A_71, %lt3A_76 : i32
        %convert_element_type3A_78 = arith.extui %lt3A_77 : i1 to i32
        %cond3A_79 = arith.constant 0 : i32
        %cond3A_80 = arith.cmpi ne, %convert_element_type3A_78, %cond3A_79 : i32
        scf.if %cond3A_80 {
          %dma_wait3A = arith.constant 0 : i32
          %dma_wait3A_98 = arith.constant 0 : i32
          %dma_wait3A_99 = arith.constant 0 : i32
          %dma_wait3A_100 = tpu.memref_slice %arg8[%dma_wait3A, %dma_wait3A_98, %dma_wait3A_99] : memref<2x1000x16xf32, #tpu.memory_space<vmem>> -> memref<1x1000x16xf32, #tpu.memory_space<vmem>>
          %dma_wait3A_101 = tpu.memref_squeeze %dma_wait3A_100 : memref<1x1000x16xf32, #tpu.memory_space<vmem>> -> memref<1000x16xf32, #tpu.memory_space<vmem>>
          %dma_wait3A_102 = arith.constant 0 : i32
          %dma_wait3A_103 = tpu.memref_slice %arg6[%add3A_71, %dma_wait3A_102] : memref<5x1000xi32, #tpu.memory_space<vmem>> -> memref<1x1000xi32, #tpu.memory_space<vmem>>
          %dma_wait3A_104 = tpu.memref_squeeze %dma_wait3A_103 : memref<1x1000xi32, #tpu.memory_space<vmem>> -> memref<1000xi32, #tpu.memory_space<vmem>>
          %dma_wait3A_105 = arith.constant 0 : i32
          %dma_wait3A_106 = arith.constant 0 : i32
          %dma_wait3A_107 = tpu.memref_slice %arg2[%select_n3A, %rem3A_34, %dma_wait3A_105, %dma_wait3A_106] : memref<2x1x10240x16xf32, #tpu.memory_space<hbm>> -> memref<1x1x10240x16xf32, #tpu.memory_space<hbm>>
          %dma_wait3A_108 = tpu.memref_squeeze %dma_wait3A_107 : memref<1x1x10240x16xf32, #tpu.memory_space<hbm>> -> memref<10240x16xf32, #tpu.memory_space<hbm>>
          %dma_wait3A_109 = arith.constant 0 : i32
          %dma_wait3A_110 = arith.constant 0 : i32
          %dma_wait3A_111 = tpu.memref_slice %dma_wait3A_108[%dma_wait3A_109, %dma_wait3A_110] : memref<10240x16xf32, #tpu.memory_space<hbm>> -> memref<10240x16xf32, #tpu.memory_space<hbm>>
          tpu.wait_indirect_dma semaphore(%arg12 : memref<!tpu.dma_semaphore, #tpu.memory_space<semaphore_mem>>) src(%dma_wait3A_111 : memref<10240x16xf32, #tpu.memory_space<hbm>>) dst(%dma_wait3A_101 : memref<1000x16xf32, #tpu.memory_space<vmem>>)
          %run_scoped3A = arith.constant 0 : i32
          "tpu.region"() ({
            %run_scoped3A_112 = tpu.sem_alloc : memref<!tpu.dma_semaphore, #tpu.memory_space<semaphore_mem>>
            %dma_start3A_113 = arith.constant 0 : i32
            %dma_start3A_114 = arith.constant 0 : i32
            %dma_start3A_115 = tpu.memref_slice %arg8[%run_scoped3A, %dma_start3A_113, %dma_start3A_114] : memref<2x1000x16xf32, #tpu.memory_space<vmem>> -> memref<1x1000x16xf32, #tpu.memory_space<vmem>>
            %dma_start3A_116 = tpu.memref_squeeze %dma_start3A_115 : memref<1x1000x16xf32, #tpu.memory_space<vmem>> -> memref<1000x16xf32, #tpu.memory_space<vmem>>
            %dma_start3A_117 = arith.constant 0 : i32
            %dma_start3A_118 = tpu.memref_slice %arg7[%add3A_71, %dma_start3A_117] : memref<5x1000xi32, #tpu.memory_space<vmem>> -> memref<1x1000xi32, #tpu.memory_space<vmem>>
            %dma_start3A_119 = tpu.memref_squeeze %dma_start3A_118 : memref<1x1000xi32, #tpu.memory_space<vmem>> -> memref<1000xi32, #tpu.memory_space<vmem>>
            %dma_start3A_120 = arith.constant 0 : i32
            %dma_start3A_121 = arith.constant 0 : i32
            %dma_start3A_122 = tpu.memref_slice %arg11[%dma_start3A_120, %dma_start3A_121] : memref<10240x16xf32, #tpu.memory_space<vmem_shared>> -> memref<10240x16xf32, #tpu.memory_space<vmem_shared>>
            tpu.enqueue_indirect_dma source(%dma_start3A_116 : memref<1000x16xf32, #tpu.memory_space<vmem>>) target(%dma_start3A_122 : memref<10240x16xf32, #tpu.memory_space<vmem_shared>>) offsets(%dma_start3A_119 : memref<1000xi32, #tpu.memory_space<vmem>>) semaphore(%run_scoped3A_112 : memref<!tpu.dma_semaphore, #tpu.memory_space<semaphore_mem>>) {add = true}
            %dma_wait3A_123 = arith.constant 0 : i32
            %dma_wait3A_124 = arith.constant 0 : i32
            %dma_wait3A_125 = tpu.memref_slice %arg8[%run_scoped3A, %dma_wait3A_123, %dma_wait3A_124] : memref<2x1000x16xf32, #tpu.memory_space<vmem>> -> memref<1x1000x16xf32, #tpu.memory_space<vmem>>
            %dma_wait3A_126 = tpu.memref_squeeze %dma_wait3A_125 : memref<1x1000x16xf32, #tpu.memory_space<vmem>> -> memref<1000x16xf32, #tpu.memory_space<vmem>>
            %dma_wait3A_127 = arith.constant 0 : i32
            %dma_wait3A_128 = tpu.memref_slice %arg7[%add3A_71, %dma_wait3A_127] : memref<5x1000xi32, #tpu.memory_space<vmem>> -> memref<1x1000xi32, #tpu.memory_space<vmem>>
            %dma_wait3A_129 = tpu.memref_squeeze %dma_wait3A_128 : memref<1x1000xi32, #tpu.memory_space<vmem>> -> memref<1000xi32, #tpu.memory_space<vmem>>
            %dma_wait3A_130 = arith.constant 0 : i32
            %dma_wait3A_131 = arith.constant 0 : i32
            %dma_wait3A_132 = tpu.memref_slice %arg11[%dma_wait3A_130, %dma_wait3A_131] : memref<10240x16xf32, #tpu.memory_space<vmem_shared>> -> memref<10240x16xf32, #tpu.memory_space<vmem_shared>>
            tpu.wait_indirect_dma semaphore(%run_scoped3A_112 : memref<!tpu.dma_semaphore, #tpu.memory_space<semaphore_mem>>) src(%dma_wait3A_126 : memref<1000x16xf32, #tpu.memory_space<vmem>>) dst(%dma_wait3A_132 : memref<10240x16xf32, #tpu.memory_space<vmem_shared>>)
            tpu.yield
          }) : () -> ()
        } else {
        }
        %mul3A_81 = arith.constant 2 : i32
        %mul3A_82 = arith.muli %scan3A_66, %mul3A_81 : i32
        %add3A_83 = arith.constant 1 : i32
        %add3A_84 = arith.addi %mul3A_82, %add3A_83 : i32
        %add3A_85 = arith.constant 1 : i32
        %add3A_86 = arith.addi %add3A_84, %add3A_85 : i32
        %lt3A_87 = arith.constant 5 : i32
        %lt3A_88 = arith.cmpi slt, %add3A_86, %lt3A_87 : i32
        %convert_element_type3A_89 = arith.extui %lt3A_88 : i1 to i32
        %cond3A_90 = arith.constant 0 : i32
        %cond3A_91 = arith.cmpi ne, %convert_element_type3A_89, %cond3A_90 : i32
        scf.if %cond3A_91 {
          %add3A_98 = arith.constant 1 : i32
          %add3A_99 = arith.addi %add3A_84, %add3A_98 : i32
          %dma_start3A_100 = arith.constant 0 : i32
          %dma_start3A_101 = arith.constant 0 : i32
          %dma_start3A_102 = arith.constant 0 : i32
          %dma_start3A_103 = tpu.memref_slice %arg8[%dma_start3A_100, %dma_start3A_101, %dma_start3A_102] : memref<2x1000x16xf32, #tpu.memory_space<vmem>> -> memref<1x1000x16xf32, #tpu.memory_space<vmem>>
          %dma_start3A_104 = tpu.memref_squeeze %dma_start3A_103 : memref<1x1000x16xf32, #tpu.memory_space<vmem>> -> memref<1000x16xf32, #tpu.memory_space<vmem>>
          %dma_start3A_105 = arith.constant 0 : i32
          %dma_start3A_106 = tpu.memref_slice %arg6[%add3A_99, %dma_start3A_105] : memref<5x1000xi32, #tpu.memory_space<vmem>> -> memref<1x1000xi32, #tpu.memory_space<vmem>>
          %dma_start3A_107 = tpu.memref_squeeze %dma_start3A_106 : memref<1x1000xi32, #tpu.memory_space<vmem>> -> memref<1000xi32, #tpu.memory_space<vmem>>
          %dma_start3A_108 = arith.constant 0 : i32
          %dma_start3A_109 = arith.constant 0 : i32
          %dma_start3A_110 = tpu.memref_slice %arg2[%select_n3A, %rem3A_34, %dma_start3A_108, %dma_start3A_109] : memref<2x1x10240x16xf32, #tpu.memory_space<hbm>> -> memref<1x1x10240x16xf32, #tpu.memory_space<hbm>>
          %dma_start3A_111 = tpu.memref_squeeze %dma_start3A_110 : memref<1x1x10240x16xf32, #tpu.memory_space<hbm>> -> memref<10240x16xf32, #tpu.memory_space<hbm>>
          %dma_start3A_112 = arith.constant 0 : i32
          %dma_start3A_113 = arith.constant 0 : i32
          %dma_start3A_114 = tpu.memref_slice %dma_start3A_111[%dma_start3A_112, %dma_start3A_113] : memref<10240x16xf32, #tpu.memory_space<hbm>> -> memref<10240x16xf32, #tpu.memory_space<hbm>>
          tpu.enqueue_indirect_dma source(%dma_start3A_114 : memref<10240x16xf32, #tpu.memory_space<hbm>>) target(%dma_start3A_104 : memref<1000x16xf32, #tpu.memory_space<vmem>>) offsets(%dma_start3A_107 : memref<1000xi32, #tpu.memory_space<vmem>>) semaphore(%arg12 : memref<!tpu.dma_semaphore, #tpu.memory_space<semaphore_mem>>)
        } else {
        }
        %lt3A_92 = arith.constant 5 : i32
        %lt3A_93 = arith.cmpi slt, %add3A_84, %lt3A_92 : i32
        %convert_element_type3A_94 = arith.extui %lt3A_93 : i1 to i32
        %cond3A_95 = arith.constant 0 : i32
        %cond3A_96 = arith.cmpi ne, %convert_element_type3A_94, %cond3A_95 : i32
        scf.if %cond3A_96 {
          %dma_wait3A = arith.constant 1 : i32
          %dma_wait3A_98 = arith.constant 0 : i32
          %dma_wait3A_99 = arith.constant 0 : i32
          %dma_wait3A_100 = tpu.memref_slice %arg8[%dma_wait3A, %dma_wait3A_98, %dma_wait3A_99] : memref<2x1000x16xf32, #tpu.memory_space<vmem>> -> memref<1x1000x16xf32, #tpu.memory_space<vmem>>
          %dma_wait3A_101 = tpu.memref_squeeze %dma_wait3A_100 : memref<1x1000x16xf32, #tpu.memory_space<vmem>> -> memref<1000x16xf32, #tpu.memory_space<vmem>>
          %dma_wait3A_102 = arith.constant 0 : i32
          %dma_wait3A_103 = tpu.memref_slice %arg6[%add3A_84, %dma_wait3A_102] : memref<5x1000xi32, #tpu.memory_space<vmem>> -> memref<1x1000xi32, #tpu.memory_space<vmem>>
          %dma_wait3A_104 = tpu.memref_squeeze %dma_wait3A_103 : memref<1x1000xi32, #tpu.memory_space<vmem>> -> memref<1000xi32, #tpu.memory_space<vmem>>
          %dma_wait3A_105 = arith.constant 0 : i32
          %dma_wait3A_106 = arith.constant 0 : i32
          %dma_wait3A_107 = tpu.memref_slice %arg2[%select_n3A, %rem3A_34, %dma_wait3A_105, %dma_wait3A_106] : memref<2x1x10240x16xf32, #tpu.memory_space<hbm>> -> memref<1x1x10240x16xf32, #tpu.memory_space<hbm>>
          %dma_wait3A_108 = tpu.memref_squeeze %dma_wait3A_107 : memref<1x1x10240x16xf32, #tpu.memory_space<hbm>> -> memref<10240x16xf32, #tpu.memory_space<hbm>>
          %dma_wait3A_109 = arith.constant 0 : i32
          %dma_wait3A_110 = arith.constant 0 : i32
          %dma_wait3A_111 = tpu.memref_slice %dma_wait3A_108[%dma_wait3A_109, %dma_wait3A_110] : memref<10240x16xf32, #tpu.memory_space<hbm>> -> memref<10240x16xf32, #tpu.memory_space<hbm>>
          tpu.wait_indirect_dma semaphore(%arg13 : memref<!tpu.dma_semaphore, #tpu.memory_space<semaphore_mem>>) src(%dma_wait3A_111 : memref<10240x16xf32, #tpu.memory_space<hbm>>) dst(%dma_wait3A_101 : memref<1000x16xf32, #tpu.memory_space<vmem>>)
          %run_scoped3A = arith.constant 1 : i32
          "tpu.region"() ({
            %run_scoped3A_112 = tpu.sem_alloc : memref<!tpu.dma_semaphore, #tpu.memory_space<semaphore_mem>>
            %dma_start3A_113 = arith.constant 0 : i32
            %dma_start3A_114 = arith.constant 0 : i32
            %dma_start3A_115 = tpu.memref_slice %arg8[%run_scoped3A, %dma_start3A_113, %dma_start3A_114] : memref<2x1000x16xf32, #tpu.memory_space<vmem>> -> memref<1x1000x16xf32, #tpu.memory_space<vmem>>
            %dma_start3A_116 = tpu.memref_squeeze %dma_start3A_115 : memref<1x1000x16xf32, #tpu.memory_space<vmem>> -> memref<1000x16xf32, #tpu.memory_space<vmem>>
            %dma_start3A_117 = arith.constant 0 : i32
            %dma_start3A_118 = tpu.memref_slice %arg7[%add3A_84, %dma_start3A_117] : memref<5x1000xi32, #tpu.memory_space<vmem>> -> memref<1x1000xi32, #tpu.memory_space<vmem>>
            %dma_start3A_119 = tpu.memref_squeeze %dma_start3A_118 : memref<1x1000xi32, #tpu.memory_space<vmem>> -> memref<1000xi32, #tpu.memory_space<vmem>>
            %dma_start3A_120 = arith.constant 0 : i32
            %dma_start3A_121 = arith.constant 0 : i32
            %dma_start3A_122 = tpu.memref_slice %arg11[%dma_start3A_120, %dma_start3A_121] : memref<10240x16xf32, #tpu.memory_space<vmem_shared>> -> memref<10240x16xf32, #tpu.memory_space<vmem_shared>>
            tpu.enqueue_indirect_dma source(%dma_start3A_116 : memref<1000x16xf32, #tpu.memory_space<vmem>>) target(%dma_start3A_122 : memref<10240x16xf32, #tpu.memory_space<vmem_shared>>) offsets(%dma_start3A_119 : memref<1000xi32, #tpu.memory_space<vmem>>) semaphore(%run_scoped3A_112 : memref<!tpu.dma_semaphore, #tpu.memory_space<semaphore_mem>>) {add = true}
            %dma_wait3A_123 = arith.constant 0 : i32
            %dma_wait3A_124 = arith.constant 0 : i32
            %dma_wait3A_125 = tpu.memref_slice %arg8[%run_scoped3A, %dma_wait3A_123, %dma_wait3A_124] : memref<2x1000x16xf32, #tpu.memory_space<vmem>> -> memref<1x1000x16xf32, #tpu.memory_space<vmem>>
            %dma_wait3A_126 = tpu.memref_squeeze %dma_wait3A_125 : memref<1x1000x16xf32, #tpu.memory_space<vmem>> -> memref<1000x16xf32, #tpu.memory_space<vmem>>
            %dma_wait3A_127 = arith.constant 0 : i32
            %dma_wait3A_128 = tpu.memref_slice %arg7[%add3A_84, %dma_wait3A_127] : memref<5x1000xi32, #tpu.memory_space<vmem>> -> memref<1x1000xi32, #tpu.memory_space<vmem>>
            %dma_wait3A_129 = tpu.memref_squeeze %dma_wait3A_128 : memref<1x1000xi32, #tpu.memory_space<vmem>> -> memref<1000xi32, #tpu.memory_space<vmem>>
            %dma_wait3A_130 = arith.constant 0 : i32
            %dma_wait3A_131 = arith.constant 0 : i32
            %dma_wait3A_132 = tpu.memref_slice %arg11[%dma_wait3A_130, %dma_wait3A_131] : memref<10240x16xf32, #tpu.memory_space<vmem_shared>> -> memref<10240x16xf32, #tpu.memory_space<vmem_shared>>
            tpu.wait_indirect_dma semaphore(%run_scoped3A_112 : memref<!tpu.dma_semaphore, #tpu.memory_space<semaphore_mem>>) src(%dma_wait3A_126 : memref<1000x16xf32, #tpu.memory_space<vmem>>) dst(%dma_wait3A_132 : memref<10240x16xf32, #tpu.memory_space<vmem_shared>>)
            tpu.yield
          }) : () -> ()
        } else {
        }
        %scan3A_97 = arith.constant 0 : i32
        scf.yield %scan3A_97 : i32
      }
      %scan3A_58 = arith.constant 3 : i32
      %barrier3A_59 = arith.constant 0 : index
      tpu.barrier barrier_id(%barrier3A_59)
      %mul3A_60 = arith.constant 640 : i32
      %mul3A_61 = arith.muli %arg1, %mul3A_60 : i32
      "tpu.region"() ({
        %run_scoped3A = tpu.sem_alloc : memref<!tpu.dma_semaphore, #tpu.memory_space<semaphore_mem>>
        %dma_start3A_66 = arith.constant 0 : i32
        %dma_start3A_67 = tpu.memref_slice %arg11[%mul3A_61, %dma_start3A_66] : memref<10240x16xf32, #tpu.memory_space<vmem_shared>> -> memref<640x16xf32, #tpu.memory_space<vmem_shared>>
        %dma_start3A_68 = arith.constant 0 : i32
        %dma_start3A_69 = tpu.memref_slice %arg11[%mul3A_61, %dma_start3A_68] : memref<10240x16xf32, #tpu.memory_space<vmem_shared>> -> memref<640x16xf32, #tpu.memory_space<vmem_shared>>
        tpu.enqueue_dma source(%dma_start3A_69 : memref<640x16xf32, #tpu.memory_space<vmem_shared>>) target(%arg9 : memref<640x16xf32, #tpu.memory_space<vmem>>) target_semaphore(%run_scoped3A : memref<!tpu.dma_semaphore, #tpu.memory_space<semaphore_mem>>)
        %dma_wait3A = arith.constant 0 : i32
        %dma_wait3A_70 = tpu.memref_slice %arg11[%mul3A_61, %dma_wait3A] : memref<10240x16xf32, #tpu.memory_space<vmem_shared>> -> memref<640x16xf32, #tpu.memory_space<vmem_shared>>
        %dma_wait3A_71 = arith.constant 0 : i32
        %dma_wait3A_72 = tpu.memref_slice %arg11[%mul3A_61, %dma_wait3A_71] : memref<10240x16xf32, #tpu.memory_space<vmem_shared>> -> memref<640x16xf32, #tpu.memory_space<vmem_shared>>
        tpu.wait_dma2 semaphore(%run_scoped3A : memref<!tpu.dma_semaphore, #tpu.memory_space<semaphore_mem>>) src(%dma_wait3A_72 : memref<640x16xf32, #tpu.memory_space<vmem_shared>>) dst(%arg9 : memref<640x16xf32, #tpu.memory_space<vmem>>)
        tpu.yield
      }) : () -> ()
      %mul3A_62 = arith.constant 640 : i32
      %mul3A_63 = arith.muli %arg1, %mul3A_62 : i32
      "tpu.region"() ({
        %run_scoped3A = tpu.sem_alloc : memref<!tpu.dma_semaphore, #tpu.memory_space<semaphore_mem>>
        %dma_start3A_66 = arith.constant 0 : i32
        %dma_start3A_67 = tpu.memref_slice %arg5[%select_n3A, %rem3A_34, %arg0, %mul3A_63, %dma_start3A_66] : memref<2x1x2x10240x16xf32, #tpu.memory_space<hbm>> -> memref<1x1x1x640x16xf32, #tpu.memory_space<hbm>>
        %dma_start3A_68 = tpu.memref_squeeze %dma_start3A_67 : memref<1x1x1x640x16xf32, #tpu.memory_space<hbm>> -> memref<640x16xf32, #tpu.memory_space<hbm>>
        %dma_start3A_69 = arith.constant 0 : i32
        %dma_start3A_70 = tpu.memref_slice %arg5[%select_n3A, %rem3A_34, %arg0, %mul3A_63, %dma_start3A_69] : memref<2x1x2x10240x16xf32, #tpu.memory_space<hbm>> -> memref<1x1x1x640x16xf32, #tpu.memory_space<hbm>>
        %dma_start3A_71 = tpu.memref_squeeze %dma_start3A_70 : memref<1x1x1x640x16xf32, #tpu.memory_space<hbm>> -> memref<640x16xf32, #tpu.memory_space<hbm>>
        tpu.enqueue_dma source(%arg9 : memref<640x16xf32, #tpu.memory_space<vmem>>) target(%dma_start3A_71 : memref<640x16xf32, #tpu.memory_space<hbm>>) target_semaphore(%run_scoped3A : memref<!tpu.dma_semaphore, #tpu.memory_space<semaphore_mem>>)
        %dma_wait3A = arith.constant 0 : i32
        %dma_wait3A_72 = tpu.memref_slice %arg5[%select_n3A, %rem3A_34, %arg0, %mul3A_63, %dma_wait3A] : memref<2x1x2x10240x16xf32, #tpu.memory_space<hbm>> -> memref<1x1x1x640x16xf32, #tpu.memory_space<hbm>>
        %dma_wait3A_73 = tpu.memref_squeeze %dma_wait3A_72 : memref<1x1x1x640x16xf32, #tpu.memory_space<hbm>> -> memref<640x16xf32, #tpu.memory_space<hbm>>
        %dma_wait3A_74 = arith.constant 0 : i32
        %dma_wait3A_75 = tpu.memref_slice %arg5[%select_n3A, %rem3A_34, %arg0, %mul3A_63, %dma_wait3A_74] : memref<2x1x2x10240x16xf32, #tpu.memory_space<hbm>> -> memref<1x1x1x640x16xf32, #tpu.memory_space<hbm>>
        %dma_wait3A_76 = tpu.memref_squeeze %dma_wait3A_75 : memref<1x1x1x640x16xf32, #tpu.memory_space<hbm>> -> memref<640x16xf32, #tpu.memory_space<hbm>>
        tpu.wait_dma2 semaphore(%run_scoped3A : memref<!tpu.dma_semaphore, #tpu.memory_space<semaphore_mem>>) src(%arg9 : memref<640x16xf32, #tpu.memory_space<vmem>>) dst(%dma_wait3A_76 : memref<640x16xf32, #tpu.memory_space<hbm>>)
        tpu.yield
      }) : () -> ()
      %barrier3A_64 = arith.constant 0 : index
      tpu.barrier barrier_id(%barrier3A_64)
      %scan3A_65 = arith.constant 0 : i32
      scf.yield %scan3A_65 : i32
    }
    %scan3A_14 = arith.constant 2 : i32
    return
  }
}

</mosaic_0001>

<sc_bundles>
// kernel: _gin_agg.3.cloned.1.call-start
scs
__scs_entry_jumppad:
0x0: {  	(pc) =	sbr.rel $0x88, $3  }
0x1: {  	(tag) =	ssettag $0x0;
	lr =	simm.s32 $0x1  }
0x2: {  	[smem:$0x3F9E] =	sst lr;
	_ =	strace $0xD0000000  }
0x3: {  	_ = 	snop  }
0x4: {  	_ = 	snop  }
0x5: {  	_ = 	snop  }
0x6: {  	_ = 	snop  }
0x7: {  	_ = 	snop  }
__scs_overlays_trampoline_lowered:
0x8: {  	[smem:$0x3FAD] =	sst s0  }
0x9: {  	[smem:$0x3FAE] =	sst s1  }
0xa: {  	[smem:$0x3FAF] =	sst s2  }
0xb: {  	[smem:$0x3FB0] =	sst s3  }
0xc: {  	[smem:$0x3FB1] =	sst s4  }
0xd: {  	[smem:$0x3FB2] =	sst s5  }
0xe: {  	[smem:$0x3FB3] =	sst s6  }
0xf: {  	[smem:$0x3FB4] =	sst s7  }
0x10: {  	[smem:$0x3FB5] =	sst s8  }
0x11: {  	[smem:$0x3FB6] =	sst s9;
	s0 =	simm.s32 @!p0 $0x0  }
0x12: {  	s1 =	sld [smem:$0x3F9C];
	s0 =	simm.s32 @p0 $0x1  }
0x13: {  	[smem:$0x3FB7] =	sst s0;
	s0 =	simm.s32 @!p1 $0x0  }
0x14: {  	s2 =	sld [smem:$0x3F9B];
	s0 =	simm.s32 @p1 $0x1  }
0x15: {  	[smem:$0x3FB8] =	sst s0;
	s0 =	simm.s32 @!p2 $0x0  }
0x16: {  	s3 =	sld [smem:$0x3FDB];
	s0 =	simm.s32 @p2 $0x1  }
0x17: {  	s4 =	simm.s32 $0x1BF5;
	[smem:$0x3FBA] =	sst s0  }
0x18: {  	s0 =	sld [smem:$0x3F9D];
	_ =	swait.ge [sflag:s4], $0x0  }
0x19: {  	s7 =	sld [smem:$0x3F9E]  }
0x1a: {  	s8 =	sadd.s32 $0xFFFFE003, lr  }
0x1b: {  	s9 =	sadd.s32 $0xFFFFFEF7, lr;
	s5 =	simm.s32 $0xFFFFFFFF;
	p2 =	slt.u32 s8, $0xFFFFF086  }
0x1c: {  	p1 =	slt.u32 s9, $0xF7A;
	s5 =	simm.s32 @!p2 $0x0  }
0x1d: {  	s5 =	simm.s32 @p1 $0x1;
	p0 =	seq.s32 s7, s2  }
0x1e: {  	s7 =	smul.u32 @!p0 $0xF7A, s2;
	p2 =	seq.s32 @!p0 s5, $0x0  }
0x1f: {  	s9 =	smul.u32 $0xF7A, s1;
	s8 =	simm.s32 @!p0 $0x1BF5;
	p2 =	por !p2, p0  }
0x20: {  	[sflag:s8] =	ssyncset.s32 @!p0 $0xFFFFF086;
	s6 =	sadd.s32 @!p0 s3, s7;
	s7 =	simm.s32 @!p0 $0x108  }
0x21: {  	s3 =	sadd.s32 s3, s9;
	s6 =	sadd.s32 @!p0 $0x88, s6;
	s7 =	simm.s32 @p2 $0x1082  }
0x22: {  	[simem:s7], [sflag:s8] =	dma.local @!p0 [hbm:s6], $0xF7A  }
0x23: {  	s9 =	sor.u32 $0xD0000000, s2;
	s6 =	simm.s32 $0x108;
	_ =	swait.ge @!p0 [sflag:s8], $0x0  }
0x24: {  	s3 =	sadd.s32 $0x88, s3;
	s6 =	simm.s32 @!p1 $0x1082;
	[sflag:s4] =	ssyncset.s32 $0xFFFFF086  }
0x25: {  	[simem:s6], [sflag:s4] =	dma.local [hbm:s3], $0xF7A  }
0x26: {  	[smem:$0x3F9E] =	sst s1;
	(tag) =	ssettag s2;
	_ =	strace s9  }
0x27: {  	s1 =	sld [smem:$0x3FAE]  }
0x28: {  	s2 =	sld [smem:$0x3FAF]  }
0x29: {  	s4 =	sld [smem:$0x3FB1]  }
0x2a: {  	p0 =	seq.s32 s5, $0x0;
	s5 =	sld [smem:$0x3FB2]  }
0x2b: {  	s6 =	sld [smem:$0x3FB3]  }
0x2c: {  	s7 =	sld [smem:$0x3FB4]  }
0x2d: {  	s3 =	simm.s32 $0x108;
	s8 =	sld [smem:$0x3FB5]  }
0x2e: {  	s3 =	simm.s32 @!p0 $0x1082;
	s9 =	sld [smem:$0x3FB6]  }
0x2f: {  	lr =	sadd.s32 s0, s3;
	s0 =	sld [smem:$0x3FAD]  }
0x30: {  	s3 =	sld [smem:$0x3FB0]  }
0x31: {  	[smem:$0x3FB9] =	sst s10  }
0x32: {  	s10 =	sld [smem:$0x3FB7];
	_ =	sdelay $0x3  }
0x33: {  	p0 =	seq.s32 s10, $0x1;
	s10 =	sld [smem:$0x3FB9];
	_ =	sdelay $0x3  }
0x34: {  	[smem:$0x3FB9] =	sst s10  }
0x35: {  	s10 =	sld [smem:$0x3FB8];
	_ =	sdelay $0x3  }
0x36: {  	p1 =	seq.s32 s10, $0x1;
	s10 =	sld [smem:$0x3FB9];
	_ =	sdelay $0x3  }
0x37: {  	[smem:$0x3FB9] =	sst s10  }
0x38: {  	s10 =	sld [smem:$0x3FBA]  }
0x39: {  	_ = 	snop;
	(pc) =	sbr.ind lr, $3  }
0x3a: {  	_ = 	snop  }
0x3b: {  	_ = 	snop  }
0x3c: {  	p2 =	seq.s32 s10, $0x1;
	s10 =	sld [smem:$0x3FB9]  }
0x3d: {  	_ =	shalt  }
0x3e: {  	_ =	shalt  }
0x3f: {  	_ =	shalt  }
0x40: {  	_ =	shalt  }
0x41: {  	_ =	shalt  }
0x42: {  	_ =	shalt  }
0x43: {  	_ =	shalt  }
0x44: {  	_ =	shalt  }
0x45: {  	_ =	shalt  }
0x46: {  	_ =	shalt  }
0x47: {  	_ =	shalt  }
0x48: {  	_ =	shalt  }
0x49: {  	_ =	shalt  }
0x4a: {  	_ =	shalt  }
0x4b: {  	_ =	shalt  }
0x4c: {  	_ =	shalt  }
0x4d: {  	_ =	shalt  }
0x4e: {  	_ =	shalt  }
0x4f: {  	_ =	shalt  }
0x50: {  	_ =	shalt  }
0x51: {  	_ =	shalt  }
0x52: {  	_ =	shalt  }
0x53: {  	_ =	shalt  }
0x54: {  	_ =	shalt  }
0x55: {  	_ =	shalt  }
0x56: {  	_ =	shalt  }
0x57: {  	_ =	shalt  }
0x58: {  	_ =	shalt  }
0x59: {  	_ =	shalt  }
0x5a: {  	_ =	shalt  }
0x5b: {  	_ =	shalt  }
0x5c: {  	_ =	shalt  }
0x5d: {  	_ =	shalt  }
0x5e: {  	_ =	shalt  }
0x5f: {  	_ =	shalt  }
0x60: {  	_ =	shalt  }
0x61: {  	_ =	shalt  }
0x62: {  	_ =	shalt  }
0x63: {  	_ =	shalt  }
0x64: {  	_ =	shalt  }
0x65: {  	_ =	shalt  }
0x66: {  	_ =	shalt  }
0x67: {  	_ =	shalt  }
0x68: {  	_ =	shalt  }
0x69: {  	_ =	shalt  }
0x6a: {  	_ =	shalt  }
0x6b: {  	_ =	shalt  }
0x6c: {  	_ =	shalt  }
0x6d: {  	_ =	shalt  }
0x6e: {  	_ =	shalt  }
0x6f: {  	_ =	shalt  }
0x70: {  	_ =	shalt  }
0x71: {  	_ =	shalt  }
0x72: {  	_ =	shalt  }
0x73: {  	_ =	shalt  }
0x74: {  	_ =	shalt  }
0x75: {  	_ =	shalt  }
0x76: {  	_ =	shalt  }
0x77: {  	_ =	shalt  }
0x78: {  	_ =	shalt  }
0x79: {  	_ =	shalt  }
0x7a: {  	_ =	shalt  }
0x7b: {  	_ =	shalt  }
0x7c: {  	_ =	shalt  }
0x7d: {  	_ =	shalt  }
0x7e: {  	_ =	shalt  }
0x7f: {  	_ =	shalt  }
0x80: {  	_ =	shalt  }
0x81: {  	_ =	shalt  }
0x82: {  	_ =	shalt  }
0x83: {  	_ =	shalt  }
0x84: {  	_ =	shalt  }
0x85: {  	_ =	shalt  }
0x86: {  	_ =	shalt  }
0x87: {  	_ =	shalt  }
.Lfunc_end0:
.L_simem_size_0:
called_computation_lowered:
.L_overlay_start_0:
0x88: {  	s2 =	sld [smem:$0x3FD9]  }
0x89: {  	s3 =	sld [smem:$0x3FFE];
	_ =	sdelay $0x1  }
0x8a: {  	s1 =	srdreg.scid  }
0x8b: {  	s0 =	sand.u32 $0x1, s1  }
0x8c: {  	s17 =	sshll.u32 s0, $0xA;
	s2 =	sadd.s32 s3, s2  }
0x8d: {  	s2 =	sadd.s32 s2, s17  }
0x8e: {  	[smem:$0x3FC5] =	sst s2  }
0x8f: {  	_ = 	snop  }
0x90: {  	s2 =	sld [smem:$0x3FD0];
	(tm) =	ssettm $0x1  }
0x91: {  	s18 =	sld [smem:$0x3FFB];
	_ =	sdelay $0x3  }
0x92: {  	_ =	strace s18  }
0x93: {  	s3 =	sld [smem:$0x3FFC];
	_ =	sdelay $0x3  }
0x94: {  	_ =	strace s3  }
0x95: {  	s3 =	sld [smem:$0x3FFD];
	_ =	sdelay $0x3  }
0x96: {  	_ =	strace s3  }
0x97: {  	_ =	strace $0x8FFFFFFF  }
0x98: {  	s19 =	sld [smem:$0x3FDB];
	_ =	sdelay $0x1  }
0x99: {  	s4 =	simm.s32 $_scs_section_size  }
0x9a: {  	s5 =	simm.s32 $_size__tile_overlayer_lowered;
	s6 =	simm.s32 $_tile_overlayer_lowered  }
0x9b: {  	s22 =	simm.s32 $0x1BFF;
	s21 =	sshll.u32 s6, $0x1;
	s3 =	sadd.s32 s4, s19  }
0x9c: {  	s7 =	simm.s32 $0x0;
	s20 =	sshll.u32 s5, $0x1;
	s5 =	sadd.s32 s21, s3  }
0x9d: {  	[timem:s7], [sflag:s22] =	dma.local [hbm:s5], s20  }
0x9e: {  	_ =	swait.ge [sflag:s22], s20  }
0x9f: {  	s4 =	ssub.s32 $0x0, s20;
	[sflag:s22] =	ssyncset.done $0x0  }
0xa0: {  	[sflag:s22] =	ssyncadd.s32 s4;
	_ =	sdelay $0x1  }
0xa1: {  	s23 =	simm.s32 $0x1B8B  }
0xa2: {  	_ =	swait.ge [sflag:s23], $0x1  }
0xa3: {  	[sflag:s23] =	ssyncset.done $0x0  }
0xa4: {  	s25 =	simm.s32 $0x1B8E;
	s24 =	sld [smem:$0x3FFE];
	[sflag:s23] =	ssyncadd.s32 $0xFFFFFFFF  }
0xa5: {  	s26 =	simm.s32 $execute0_lowered;
	[smem:$0x3FD2] =	sst s25  }
0xa6: {  	s5 =	sshll.u32 s26, $0x1;
	_ =	strace $0x80000046;
	[dreg:$0x1] =	wrdreg $0xFFFFFFFF  }
0xa7: {  	s28 =	simm.s32 $_size_execute0_lowered;
	s3 =	sadd.s32 s3, s5;
	[dreg:$0x0] =	wrdreg $0x0  }
0xa8: {  	s5 =	sshll.u32 s28, $0x1;
	[dreg:$0x2] =	wrdreg s3  }
0xa9: {  	[dreg:$0x3] =	wrdreg s5  }
0xaa: {  	[dreg:$0x4] =	wrdreg $0xC0  }
0xab: {  	_ =	task [dreg:s7], $0x5FFFF  }
0xac: {  	[dreg:$0x1] =	wrdreg $0xFFFFFFFF  }
0xad: {  	[dreg:$0x0] =	wrdreg $0x60  }
0xae: {  	[dreg:$0x2] =	wrdreg s24  }
0xaf: {  	[dreg:$0x3] =	wrdreg s2  }
0xb0: {  	[dreg:$0x4] =	wrdreg $0xF4100  }
0xb1: {  	[dreg:$0x5] =	wrdreg $0x9  }
0xb2: {  	_ =	task.clear_ibuf [dreg:s7], $0x6FFFF;
	_ =	strace $0x90000046  }
0xb3: {  	s29 =	simm.s32 $0x9;
	_ =	strace $0x80000048  }
0xb4: {  	_ =	swait.ge [sflag:s29], $0x1  }
0xb5: {  	[sflag:s29] =	ssyncadd.s32 $0xFFFFFFFF  }
0xb6: {  	_ =	strace $0x90000048  }
0xb7: {  	_ =	sfence  }
0xb8: {  	s30 =	sld [smem:$0x0];
	_ =	sdelay $0x2  }
0xb9: {  	s31 =	sshll.u32 s1, $0xD;
	s1 =	sshrl.u32 s1, $0x2  }
0xba: {  	s3 =	sand.u32 $0x4000, s31;
	s1 =	sadd.s32 s1, s30  }
0xbb: {  	s0 =	sor.u32 s3, s0;
	s1 =	sshll.u32 s1, $0x11  }
0xbc: {  	s0 =	sor.u32 s1, s0  }
0xbd: {  	s0 =	sadd.s32 $0x8F2B, s0  }
0xbe: {  	[sflag:s0] =	ssyncadd.remote.s32 $0x1  }
0xbf: {  	_ =	sfence.sel $0xFFFF  }
0xc0: {  	[dreg:$0x0] =	wrdreg $0xFFFFFFFF;
	(pc) =	sbr.abs _section_cstart, $3  }
0xc1: {  	[dreg:$0x1] =	wrdreg $0xFFFFFFFF  }
0xc2: {  	_ =	task.clear_ibuf [dreg:s7], $0x2FFFF;
	_ =	strace $0x9FFFFFFF  }
0xc3: {  	(tm) =	ssettm $0x7FFFFFFF  }
tec
execute0_lowered:
.L_overlay_start_1:
0x0: {  	(tag) =	ssettag $0x1  }
0x1: {  	s7 =	rddreg [dreg:$0x0]  }
0x2: {  	s1 =	rddreg [dreg:$0x1]  }
0x3: {  	s2 =	rddreg [dreg:$0x2];
	s3 =	simm.s32 $0x0  }
0x4: {  	s6 =	srdreg.scid;
	s4 =	stileid.u32;
	s14 =	simm.s32 $0xCC10  }
0x5: {  	s15 =	simm.s32 $0x3E8;
	s16 =	simm.s32 $0x2710;
	s17 =	simm.s32 $0x6590  }
0x6: {  	s18 =	simm.s32 $0x4;
	s19 =	simm.s32 $0x7D0;
	s20 =	simm.s32 $0x2  }
0x7: {  	s21 =	simm.s32 $0x1770;
	s22 =	simm.s32 $0xBB8;
	s23 =	simm.s32 $0x1B58  }
0x8: {  	s24 =	simm.s32 $0xFA0;
	s25 =	simm.s32 $0x1F40;
	s26 =	simm.s32 $0x2328  }
0x9: {  	s28 =	simm.s32 $0xA410;
	s29 =	simm.s32 $0x0;
	[smem:$0x7FF] =	sst s3  }
0xa: {  	s5 =	sadd.s32 $0x14400, s7;
	s8 =	sand.u32 $0x1, s6;
	s6 =	sadd.s32 $0x800, s7  }
0xb: {  	s10 =	smul.u32 $0x2800, s4;
	s12 =	sshll.u32 s4, $0x1;
	s7 =	sadd.s32 $0xA600, s7  }
0xc: {  	_ =	strace $0x80000047;
	s9 =	ssub.s32 $0x2, s8;
	s13 =	smul.u32 $0x28000, s8  }
0xd: {  	s8 =	sor.u32 s8, s12;
	s12 =	simm.s32 $0x3;
	s11 =	sshrl.u32 s9, $0x1  }
0xe: {  	s8 =	smul.u32 $0x1388, s8;
	s11 =	ssub.s32 s9, s11;
	s9 =	sadd.s32 s10, s2  }
0xf: {  	v0 =	vimm.f32 $0.0e+00;
	s10 =	sadd.s32 s13, s10;
	s13 =	simm.s32 $0x1388;
	s11 =	smax.u32 s11, $0x1  }
.LBB2_1:
0x10: {  	s30 =	simm.s32 $0x0  }
.LBB2_2:
0x11: {  	p0 =	sne.s32 s30, $0x9FC0  }
.Ltmp0:
0x12: {  	_ = 	snop;
	(pc) =	sbr.rel @p0 .LBB2_2-.Ltmp0, $3  }
0x13: {  	_ =	sdelay $0x1  }
0x14: {  	s31 =	sshra.s32 s30, $0x2  }
0x15: {  	s30 =	sadd.s32 $0x40, s30;
	[tilespmem:s31+$0xCC10] =	vst v0  }
0x16: {  	s30 =	simm.s32 $0x0;
	p0 =	por $0x1, $0x1  }
.LBB2_4:
0x17: {  	s31 =	smul.u32 $0x27100, s30;
	_ =	sdelay $0x1  }
0x18: {  	s31 =	sadd.s32 s8, s31  }
0x19: {  	s31 =	sshrl.u32 s31, $0x3  }
0x1a: {  	s0 =	sadd.s32 s6, s31  }
0x1b: {  	[tilespmem:s3], [sflag:$0x3] =	stream.linear.gather [hbm4b:s0+s3], $0x1388, $0x38;
	[tilespmem:$0x11C10] =	vst v63  }
0x1c: {  	_ =	swait.ge [sflag:s12], $0x1388  }
0x1d: {  	[sflag:s12] =	ssyncset.done $0x0  }
0x1e: {  	s31 =	sadd.s32 s7, s31;
	[sflag:s12] =	ssyncadd.s32 $0xFFFFEC78  }
0x1f: {  	[tilespmem:s13], [sflag:$0x3] =	stream.linear.gather [hbm4b:s31+s3], $0x1388, $0x38;
	[tilespmem:$0x11C10] =	vst v63  }
0x20: {  	_ =	swait.ge [sflag:s12], $0x1388  }
0x21: {  	[sflag:s12] =	ssyncset.done $0x0  }
0x22: {  	[sflag:s12] =	ssyncadd.s32 $0xFFFFEC78  }
0x23: {  	[spmem:s9] =	stream.linear.scatter [tilespmem:s14], [sflag:$0x3], $0x2800, $0x38;
	[tilespmem:$0x11C10] =	vst v63  }
0x24: {  	_ =	swait.ge [sflag:s12], $0x2800  }
0x25: {  	s31 =	smul.u32 $0x5000, s30;
	[sflag:s12] =	ssyncset.done $0x0  }
0x26: {  	[sflag:s12] =	ssyncadd.s32 $0xFFFFD800  }
0x27: {  	s0 =	sadd.s32 s5, s31;
	[bflag:$0x0] =	sbarrier.arrive $0xFFFF  }
0x28: {  	[tilespmem:s16], [sflag:$0x1] =	stream.indirect.gather [hbm4b:s0+s15], $0x10, s3, s15, $0xb8;
	[tilespmem:$0x11C10] =	vst v63  }
0x29: {  	s31 =	simm.s32 $0x1  }
0x2a: {  	[tilespmem:s17], [sflag:$0x2] =	stream.indirect.gather [hbm4b:s0+s15], $0x10, s15, s15, $0xb8;
	[tilespmem:$0x11C10] =	vst v63  }
0x2b: {  	_ =	swait.ge [sflag:s31], $0x3E80  }
0x2c: {  	[sflag:s31] =	ssyncset.done $0x0  }
0x2d: {  	[sflag:s31] =	ssyncadd.s32 $0xFFFFC180  }
0x2e: {  	[spmem:s2] =	stream.indirect.scatter.add.f32 [tilespmem:s16], [sflag:$0x4], $0x10, s13, s15, $0xb8;
	[tilespmem:$0x11C10] =	vst v63  }
0x2f: {  	_ =	swait.ge [sflag:s18], $0x3E80  }
0x30: {  	[sflag:s18] =	ssyncset.done $0x0  }
0x31: {  	[sflag:s18] =	ssyncadd.s32 $0xFFFFC180  }
0x32: {  	[tilespmem:s16], [sflag:$0x1] =	stream.indirect.gather [hbm4b:s0+s15], $0x10, s19, s15, $0xb8;
	[tilespmem:$0x11C10] =	vst v63  }
0x33: {  	_ =	swait.ge [sflag:s20], $0x3E80  }
0x34: {  	[sflag:s20] =	ssyncset.done $0x0  }
0x35: {  	[sflag:s20] =	ssyncadd.s32 $0xFFFFC180  }
0x36: {  	[spmem:s2] =	stream.indirect.scatter.add.f32 [tilespmem:s17], [sflag:$0x3], $0x10, s21, s15, $0xb8;
	[tilespmem:$0x11C10] =	vst v63  }
0x37: {  	_ =	swait.ge [sflag:s12], $0x3E80  }
0x38: {  	[sflag:s12] =	ssyncset.done $0x0  }
0x39: {  	[sflag:s12] =	ssyncadd.s32 $0xFFFFC180  }
0x3a: {  	[tilespmem:s17], [sflag:$0x2] =	stream.indirect.gather [hbm4b:s0+s15], $0x10, s22, s15, $0xb8;
	[tilespmem:$0x11C10] =	vst v63  }
0x3b: {  	_ =	swait.ge [sflag:s31], $0x3E80  }
0x3c: {  	[sflag:s31] =	ssyncset.done $0x0  }
0x3d: {  	[sflag:s31] =	ssyncadd.s32 $0xFFFFC180  }
0x3e: {  	[spmem:s2] =	stream.indirect.scatter.add.f32 [tilespmem:s16], [sflag:$0x4], $0x10, s23, s15, $0xb8;
	[tilespmem:$0x11C10] =	vst v63  }
0x3f: {  	_ =	swait.ge [sflag:s18], $0x3E80  }
0x40: {  	[sflag:s18] =	ssyncset.done $0x0  }
0x41: {  	[sflag:s18] =	ssyncadd.s32 $0xFFFFC180  }
0x42: {  	[tilespmem:s16], [sflag:$0x1] =	stream.indirect.gather [hbm4b:s0+s15], $0x10, s24, s15, $0xb8;
	[tilespmem:$0x11C10] =	vst v63  }
0x43: {  	_ =	swait.ge [sflag:s20], $0x3E80  }
0x44: {  	[sflag:s20] =	ssyncset.done $0x0  }
0x45: {  	[sflag:s20] =	ssyncadd.s32 $0xFFFFC180  }
0x46: {  	[spmem:s2] =	stream.indirect.scatter.add.f32 [tilespmem:s17], [sflag:$0x3], $0x10, s25, s15, $0xb8;
	[tilespmem:$0x11C10] =	vst v63  }
0x47: {  	_ =	swait.ge [sflag:s12], $0x3E80  }
0x48: {  	[sflag:s12] =	ssyncset.done $0x0  }
0x49: {  	[sflag:s12] =	ssyncadd.s32 $0xFFFFC180  }
0x4a: {  	_ =	swait.ge [sflag:s31], $0x3E80  }
0x4b: {  	[sflag:s31] =	ssyncset.done $0x0  }
0x4c: {  	[sflag:s31] =	ssyncadd.s32 $0xFFFFC180  }
0x4d: {  	[spmem:s2] =	stream.indirect.scatter.add.f32 [tilespmem:s16], [sflag:$0x4], $0x10, s26, s15, $0xb8;
	[tilespmem:$0x11C10] =	vst v63  }
0x4e: {  	_ =	swait.ge [sflag:s18], $0x3E80  }
0x4f: {  	[sflag:s18] =	ssyncset.done $0x0  }
0x50: {  	[sflag:s18] =	ssyncadd.s32 $0xFFFFC180  }
0x51: {  	s31 =	smul.u32 $0x50000, s30;
	[bflag:$0x0] =	sbarrier.arrive $0xFFFF  }
0x52: {  	[tilespmem:s28], [sflag:$0x3] =	stream.linear.gather [spmem:s9], $0x2800, $0x38;
	[tilespmem:$0x11C10] =	vst v63  }
0x53: {  	s0 =	sadd.s32 s31, s10;
	_ =	swait.ge [sflag:s12], $0x2800  }
0x54: {  	s0 =	sshrl.u32 s0, $0x3;
	[sflag:s12] =	ssyncset.done $0x0  }
0x55: {  	p1 =	por p0, p0;
	s0 =	sadd.s32 s1, s0;
	[sflag:s12] =	ssyncadd.s32 $0xFFFFD800  }
0x56: {  	[hbm4b:s0+s3] =	stream.linear.scatter [tilespmem:s28], [sflag:$0x3], $0x2800, $0x38;
	[tilespmem:$0x11C10] =	vst v63  }
.Ltmp1:
0x57: {  	_ =	swait.ge [sflag:s12], $0x2800;
	(pc) =	sbr.rel @p1 .LBB2_4-.Ltmp1, $4  }
0x58: {  	[sflag:s12] =	ssyncset.done $0x0  }
0x59: {  	[sflag:s12] =	ssyncadd.s32 $0xFFFFD800  }
0x5a: {  	[bflag:$0x0] =	sbarrier.arrive $0xFFFF  }
0x5b: {  	p0 =	por $0x0, $0x0;
	s30 =	simm.s32 $0x1  }
0x5c: {  	s29 =	sadd.s32 $0x1, s29  }
0x5d: {  	p0 =	sne.s32 s29, s11  }
.Ltmp2:
0x5e: {  	_ = 	snop;
	(pc) =	sbr.rel @p0 .LBB2_1-.Ltmp2, $1  }
0x5f: {  	_ =	sdelay $0x3  }
0x60: {  	_ =	sfence.sel $0x180000  }
0x61: {  	[bflag:$0x0] =	sbarrier.arrive $0xFFFF  }
0x62: {  	_ =	strace $0x90000047  }
0x63: {  	[bflag:$0x2] =	sbarrier.arrive $0xFFFF  }
0x64: {  	p0 =	sne.s32 s4, $0x0;
	s0 =	rddreg [dreg:$0x3]  }
0x65: {  	s0 =	sadd.s32 @!p0 $0x100000, s0  }
0x66: {  	[sflag:s0] =	ssyncadd.tile.s32 @!p0 $0x1;
	_ =	shalt  }
.Lfunc_end2:
_tile_overlayer_lowered:
.L_overlay_start_2:
0x67: {  	(tag) =	ssettag $0x2  }
0x68: {  	s0 =	rddreg [dreg:$0x0];
	s2 =	stileid.u32  }
0x69: {  	s1 =	rddreg [dreg:$0x1];
	p0 =	sne.s32 s2, $0x0  }
0x6a: {  	s3 =	rddreg [dreg:$0x2];
	[bflag:$0x3] =	sbarrier.arrive $0xFFFF;
	s2 =	simm.s32 @!p0 $0x1C03  }
0x6b: {  	[timem:s3], [sflag:s2] =	dma.local @!p0 [hbm:s0], s1  }
0x6c: {  	s0 =	simm.s32 @!p0 $0x3  }
0x6d: {  	_ =	swait.ge @!p0 [sflag:s0], s1  }
0x6e: {  	s1 =	ssub.s32 @!p0 $0x0, s1;
	[sflag:s0] =	ssyncset.done @!p0 $0x0  }
0x6f: {  	[sflag:s0] =	ssyncadd.s32 @!p0 s1  }
0x70: {  	[bflag:$0x3] =	sbarrier.arrive $0xFFFF  }
0x71: {  	_ =	shalt  }

</sc_bundles>
